<compile_context>
chip_gen: v7x
topology: tpu7x:2x2x1
jax: 0.10.2.dev20260603
libtpu: 0.0.44.dev20260713+nightly
codegen_flags: <defaults>
</compile_context>

<pallas_src>
import functools

import jax
import jax.numpy as jnp
from jax import lax
from jax.experimental import pallas as pl
from jax.experimental.pallas import tpu as pltpu
from jax.experimental.pallas import tpu_sc as plsc

N = 10000
E = 320000
D = 128
G = 64

NW = 32
CH = 80
NCH = 125
ROWS_T = 632
NP = 16 * ROWS_T
DEG_T = 640
NPD = 16 * DEG_T

BN = 1000
GRID = N // BN

_mesh = plsc.VectorSubcoreMesh(core_axis_name="c", subcore_axis_name="s")


@functools.partial(
    pl.kernel,
    mesh=_mesh,
    out_type=jax.ShapeDtypeStruct((2, NPD), jnp.float32),
    scratch_types=[
        pltpu.VMEM((NCH, CH), jnp.int32),
        pltpu.VMEM((CH,), jnp.float32),
        pltpu.VMEM_SHARED((NPD,), jnp.float32),
    ],
)
def _sc_deg(dst_hbm, zt_hbm, ones_hbm, out_hbm, dst_v, ones_v, acc):
    c = lax.axis_index("c")
    t = lax.axis_index("s")
    wid = t * 2 + c
    pltpu.sync_copy(zt_hbm, acc.at[pl.ds(t * DEG_T, DEG_T)])
    pltpu.sync_copy(ones_hbm, ones_v)
    pltpu.sync_copy(dst_hbm.at[wid], dst_v)
    plsc.subcore_barrier()

    def body(j, carry):
        pltpu.sync_copy(ones_v, acc.at[dst_v.at[j]], add=True)
        return carry

    lax.fori_loop(0, NCH, body, 0)
    plsc.subcore_barrier()
    pltpu.sync_copy(acc.at[pl.ds(t * DEG_T, DEG_T)],
                    out_hbm.at[c, pl.ds(t * DEG_T, DEG_T)])


@functools.partial(
    pl.kernel,
    mesh=_mesh,
    out_type=jax.ShapeDtypeStruct((2, NP, D), jnp.float32),
    scratch_types=[
        pltpu.VMEM((NCH, CH), jnp.int32),
        pltpu.VMEM((NCH, CH), jnp.int32),
        pltpu.VMEM((CH, D), jnp.float32),
        pltpu.VMEM_SHARED((NP, D), jnp.float32),
        pltpu.SemaphoreType.DMA,
    ],
)
def _sc_spmm(g_hbm, src_hbm, dst_hbm, zrows_hbm, out_hbm,
             src_v, dst_v, rows_v, acc, sem):
    c = lax.axis_index("c")
    t = lax.axis_index("s")
    wid = t * 2 + c
    pltpu.sync_copy(zrows_hbm, acc.at[pl.ds(t * ROWS_T, ROWS_T)])
    pltpu.sync_copy(src_hbm.at[wid], src_v)
    pltpu.sync_copy(dst_hbm.at[wid], dst_v)
    plsc.subcore_barrier()

    def body(j, carry):
        pltpu.async_copy(g_hbm.at[src_v.at[j]], rows_v, sem).wait()
        pltpu.sync_copy(rows_v, acc.at[dst_v.at[j]], add=True)
        return carry

    lax.fori_loop(0, NCH, body, 0)
    plsc.subcore_barrier()
    pltpu.sync_copy(acc.at[pl.ds(t * ROWS_T, ROWS_T)],
                    out_hbm.at[c, pl.ds(t * ROWS_T, ROWS_T)])


def _k1_body(x_ref, w_ref, deg_ref, dinv_ref, g_ref):
    y = jnp.dot(x_ref[...], w_ref[...], preferred_element_type=jnp.float32)
    dsum = deg_ref[0] + deg_ref[1] + 1.0
    dinv = lax.rsqrt(dsum)
    dinv_ref[...] = dinv
    g_ref[...] = y * dinv


def _tc_prescale(x, W1, deg3):
    return pl.pallas_call(
        _k1_body,
        grid=(GRID,),
        in_specs=[
            pl.BlockSpec((BN, D), lambda i: (i, 0)),
            pl.BlockSpec((D, D), lambda i: (0, 0)),
            pl.BlockSpec((2, BN, 1), lambda i: (0, i, 0)),
        ],
        out_specs=[
            pl.BlockSpec((BN, 1), lambda i: (i, 0)),
            pl.BlockSpec((BN, D), lambda i: (i, 0)),
        ],
        out_shape=[
            jax.ShapeDtypeStruct((N, 1), jnp.float32),
            jax.ShapeDtypeStruct((N, D), jnp.float32),
        ],
    )(x, W1, deg3)


def _k2_body(s0_ref, s1_ref, g_ref, dinv_ref, b_ref, w_ref, gout_ref):
    ssum = s0_ref[0] + s1_ref[0] + g_ref[...]
    p = ssum * dinv_ref[...] + b_ref[...]
    h = jnp.maximum(p, 0.0)
    y = jnp.dot(h, w_ref[...], preferred_element_type=jnp.float32)
    gout_ref[...] = y * dinv_ref[...]


def _tc_layer(s, g, dinv, b_row, Wn):
    return pl.pallas_call(
        _k2_body,
        grid=(GRID,),
        in_specs=[
            pl.BlockSpec((1, BN, D), lambda i: (0, i, 0)),
            pl.BlockSpec((1, BN, D), lambda i: (1, i, 0)),
            pl.BlockSpec((BN, D), lambda i: (i, 0)),
            pl.BlockSpec((BN, 1), lambda i: (i, 0)),
            pl.BlockSpec((1, D), lambda i: (0, 0)),
            pl.BlockSpec((D, D), lambda i: (0, 0)),
        ],
        out_specs=pl.BlockSpec((BN, D), lambda i: (i, 0)),
        out_shape=jax.ShapeDtypeStruct((N, D), jnp.float32),
    )(s, s, g, dinv, b_row, Wn)


def _k4_body(s_ref, g_ref, dinv_ref, b3_ref, batch_ref,
             w1_ref, b1_ref, w2_ref, b2_ref, out_ref):
    h4 = ((s_ref[0, :N] + s_ref[1, :N] + g_ref[...]) * dinv_ref[...]
          + b3_ref[...])
    b = batch_ref[...]
    gids = lax.broadcasted_iota(jnp.int32, (G, N), 0)
    oh = (b[None, :] == gids).astype(jnp.float32)
    sums = jnp.dot(oh, h4, preferred_element_type=jnp.float32)
    counts = jnp.sum(oh, axis=1, keepdims=True)
    pooled = sums / jnp.maximum(counts, 1.0)
    hm = jnp.maximum(
        jnp.dot(pooled, w1_ref[...], preferred_element_type=jnp.float32)
        + b1_ref[...], 0.0)
    out_ref[...] = jnp.dot(
        hm, w2_ref[...], preferred_element_type=jnp.float32) + b2_ref[...]


def _tc_pool_mlp(s, g, dinv, b3_row, batch, mW1p, mb1p, mW2p, mb2p):
    return pl.pallas_call(
        _k4_body,
        out_shape=jax.ShapeDtypeStruct((G, D), jnp.float32),
    )(s, g, dinv, b3_row, batch, mW1p, mb1p, mW2p, mb2p)


def kernel(x, edge_index, batch, W1, b1, W2, b2, W3, b3, mW1, mb1, mW2, mb2):
    f32 = jnp.float32
    src_r = edge_index[0].reshape(NW, NCH, CH)
    dst_r = edge_index[1].reshape(NW, NCH, CH)

    zt = jnp.zeros((DEG_T,), f32)
    ones_e = jnp.ones((CH,), f32)
    zrows = jnp.zeros((ROWS_T, D), f32)

    deg = _sc_deg(dst_r, zt, ones_e)
    deg3 = deg.reshape(2, NPD, 1)

    dinv, g1 = _tc_prescale(x.astype(f32), W1, deg3)

    s1 = _sc_spmm(g1, src_r, dst_r, zrows)
    g2 = _tc_layer(s1, g1, dinv, b1.reshape(1, D), W2)
    s2 = _sc_spmm(g2, src_r, dst_r, zrows)
    g3 = _tc_layer(s2, g2, dinv, b2.reshape(1, D), W3)
    s3 = _sc_spmm(g3, src_r, dst_r, zrows)

    mW1p = jnp.zeros((D, D), f32).at[:, :mW1.shape[1]].set(mW1)
    mb1p = jnp.zeros((1, D), f32).at[0, :mb1.shape[0]].set(mb1)
    mW2p = jnp.zeros((D, D), f32).at[:mW2.shape[0], :mW2.shape[1]].set(mW2)
    mb2p = jnp.zeros((1, D), f32).at[0, :mb2.shape[0]].set(mb2)

    pred_pad = _tc_pool_mlp(s3, g3, dinv, b3.reshape(1, D), batch,
                            mW1p, mb1p, mW2p, mb2p)
    return pred_pad[:, :mW2.shape[1]]

# --- scband reference (transcript-rebuilt; emitter-appended) ---
"""Pipeline reference for scband-gcn-40037685134216 (READ-ONLY COPY).

The authoritative reference and input builder live on the scoring server;
editing this copy changes nothing except your own understanding.
"""

import jax, jax.numpy as jnp
import numpy as np

N = 10000
E = 320000
D = 128
H = 128
OUT = 128
G = 64
MLP_H = 100
N_CLASSES = 4


def setup_inputs(seed: int = 0) -> dict:
    key = jax.random.key(seed)
    ks = jax.random.split(key, 16)
    x = jax.random.normal(ks[0], (N, D), dtype=jnp.float32)
    edge_index = jax.random.randint(ks[1], (2, E), 0, N, dtype=jnp.int32)
    batch = jnp.sort(jax.random.randint(ks[2], (N,), 0, G, dtype=jnp.int32))
    s = 0.05
    W1 = jax.random.normal(ks[3], (D, H), dtype=jnp.float32) * s
    b1 = jnp.zeros((H,), dtype=jnp.float32)
    W2 = jax.random.normal(ks[4], (H, H), dtype=jnp.float32) * s
    b2 = jnp.zeros((H,), dtype=jnp.float32)
    W3 = jax.random.normal(ks[5], (H, OUT), dtype=jnp.float32) * s
    b3 = jnp.zeros((OUT,), dtype=jnp.float32)
    mW1 = jax.random.normal(ks[6], (OUT, MLP_H), dtype=jnp.float32) * s
    mb1 = jnp.zeros((MLP_H,), dtype=jnp.float32)
    mW2 = jax.random.normal(ks[7], (MLP_H, N_CLASSES), dtype=jnp.float32) * s
    mb2 = jnp.zeros((N_CLASSES,), dtype=jnp.float32)
    return {"x": x, "edge_index": edge_index, "batch": batch,
            "W1": W1, "b1": b1, "W2": W2, "b2": b2, "W3": W3, "b3": b3,
            "mW1": mW1, "mb1": mb1, "mW2": mW2, "mb2": mb2}


def _gcn_conv(x, W, b, src, dst):
    # PyG GCNConv: add self-loops (done by caller), symmetric normalization
    h = x @ W
    ones = jnp.ones(src.shape[0], dtype=h.dtype)
    deg = jax.ops.segment_sum(ones, dst, num_segments=N)
    dinv = jnp.where(deg > 0, 1.0 / jnp.sqrt(deg), 0.0)
    norm = dinv[src] * dinv[dst]
    msg = h[src] * norm[:, None]
    out = jax.ops.segment_sum(msg, dst, num_segments=N)
    return out + b


def reference(x, edge_index, batch, W1, b1, W2, b2, W3, b3, mW1, mb1, mW2, mb2):
    # add self loops once (shared adjacency across layers)
    loop = jnp.arange(N, dtype=edge_index.dtype)
    src = jnp.concatenate([edge_index[0], loop])
    dst = jnp.concatenate([edge_index[1], loop])
    # dropout layers are identity in eval mode (training=False)
    h = jax.nn.relu(_gcn_conv(x.astype(jnp.float32), W1, b1, src, dst))
    h = jax.nn.relu(_gcn_conv(h, W2, b2, src, dst))
    h = _gcn_conv(h, W3, b3, src, dst)
    # global_mean_pool over batch vector
    sums = jax.ops.segment_sum(h, batch, num_segments=G)
    counts = jax.ops.segment_sum(jnp.ones((N,), dtype=h.dtype), batch, num_segments=G)
    pooled = sums / jnp.clip(counts, 1.0)[:, None]
    # MLPReadout2: Linear(out_dim,100) -> ReLU -> dropout(eval no-op) -> Linear(100,4)
    hm = jax.nn.relu(pooled @ mW1 + mb1)
    pred = hm @ mW2 + mb2
    return pred

if __name__ == "__main__":
    import jax
    _d = setup_inputs()
    print(jax.jit(kernel)(*tuple(_d.values())))

</pallas_src>

<mosaic_0001>
#map = affine_map<(d0, d1) -> (0, 0, 0)>
#map1 = affine_map<(d0, d1) -> (0)>
#map2 = affine_map<(d0, d1) -> (0, 0)>
module attributes {stable_mosaic.version = 14 : i64} {
  func.func @_sc_deg(%arg0: i32, %arg1: i32, %arg2: memref<32x125x80xi32, #tpu.memory_space<hbm>>, %arg3: memref<640xf32, #tpu.memory_space<hbm>>, %arg4: memref<80xf32, #tpu.memory_space<hbm>>, %arg5: memref<2x10240xf32, #tpu.memory_space<hbm>>, %arg6: memref<125x80xi32, #tpu.memory_space<vmem>>, %arg7: memref<80xf32, #tpu.memory_space<vmem>>, %arg8: memref<10240xf32, #tpu.memory_space<vmem_shared>>) attributes {dimension_semantics = [#tpu.dimension_semantics<core_parallel>, #tpu.dimension_semantics<subcore_parallel>], iteration_bounds = array<i64: 2, 16>, scalar_prefetch = 0 : i64, scratch_operands = 3 : i64, tpu.core_type = #tpu.core_type<sc_vector_subcore>, window_params = [{transform_indices = #map}, {transform_indices = #map1}, {transform_indices = #map1}, {transform_indices = #map2}]} {
    %mul3A = arith.constant 2 : i32
    %mul3A_0 = arith.muli %arg1, %mul3A : i32
    %add3A = arith.addi %mul3A_0, %arg0 : i32
    %mul3A_1 = arith.constant 640 : i32
    %mul3A_2 = arith.muli %arg1, %mul3A_1 : i32
    "tpu.region"() ({
      %run_scoped3A = tpu.sem_alloc : memref<!tpu.dma_semaphore, #tpu.memory_space<semaphore_mem>>
      %dma_start3A = tpu.memref_slice %arg8[%mul3A_2] : memref<10240xf32, #tpu.memory_space<vmem_shared>> -> memref<640xf32, #tpu.memory_space<vmem_shared>>
      tpu.enqueue_dma source(%arg3 : memref<640xf32, #tpu.memory_space<hbm>>) target(%dma_start3A : memref<640xf32, #tpu.memory_space<vmem_shared>>) target_semaphore(%run_scoped3A : memref<!tpu.dma_semaphore, #tpu.memory_space<semaphore_mem>>)
      %dma_wait3A = tpu.memref_slice %arg8[%mul3A_2] : memref<10240xf32, #tpu.memory_space<vmem_shared>> -> memref<640xf32, #tpu.memory_space<vmem_shared>>
      tpu.wait_dma2 semaphore(%run_scoped3A : memref<!tpu.dma_semaphore, #tpu.memory_space<semaphore_mem>>) src(%arg3 : memref<640xf32, #tpu.memory_space<hbm>>) dst(%dma_wait3A : memref<640xf32, #tpu.memory_space<vmem_shared>>)
      tpu.yield
    }) : () -> ()
    "tpu.region"() ({
      %run_scoped3A = tpu.sem_alloc : memref<!tpu.dma_semaphore, #tpu.memory_space<semaphore_mem>>
      tpu.enqueue_dma source(%arg4 : memref<80xf32, #tpu.memory_space<hbm>>) target(%arg7 : memref<80xf32, #tpu.memory_space<vmem>>) target_semaphore(%run_scoped3A : memref<!tpu.dma_semaphore, #tpu.memory_space<semaphore_mem>>)
      tpu.wait_dma2 semaphore(%run_scoped3A : memref<!tpu.dma_semaphore, #tpu.memory_space<semaphore_mem>>) src(%arg4 : memref<80xf32, #tpu.memory_space<hbm>>) dst(%arg7 : memref<80xf32, #tpu.memory_space<vmem>>)
      tpu.yield
    }) : () -> ()
    "tpu.region"() ({
      %run_scoped3A = tpu.sem_alloc : memref<!tpu.dma_semaphore, #tpu.memory_space<semaphore_mem>>
      %dma_start3A = arith.constant 0 : i32
      %dma_start3A_13 = arith.constant 0 : i32
      %dma_start3A_14 = tpu.memref_slice %arg2[%add3A, %dma_start3A, %dma_start3A_13] : memref<32x125x80xi32, #tpu.memory_space<hbm>> -> memref<1x125x80xi32, #tpu.memory_space<hbm>>
      %dma_start3A_15 = tpu.memref_squeeze %dma_start3A_14 : memref<1x125x80xi32, #tpu.memory_space<hbm>> -> memref<125x80xi32, #tpu.memory_space<hbm>>
      %dma_start3A_16 = arith.constant 0 : i32
      %dma_start3A_17 = arith.constant 0 : i32
      %dma_start3A_18 = tpu.memref_slice %arg2[%add3A, %dma_start3A_16, %dma_start3A_17] : memref<32x125x80xi32, #tpu.memory_space<hbm>> -> memref<1x125x80xi32, #tpu.memory_space<hbm>>
      %dma_start3A_19 = tpu.memref_squeeze %dma_start3A_18 : memref<1x125x80xi32, #tpu.memory_space<hbm>> -> memref<125x80xi32, #tpu.memory_space<hbm>>
      tpu.enqueue_dma source(%dma_start3A_19 : memref<125x80xi32, #tpu.memory_space<hbm>>) target(%arg6 : memref<125x80xi32, #tpu.memory_space<vmem>>) target_semaphore(%run_scoped3A : memref<!tpu.dma_semaphore, #tpu.memory_space<semaphore_mem>>)
      %dma_wait3A = arith.constant 0 : i32
      %dma_wait3A_20 = arith.constant 0 : i32
      %dma_wait3A_21 = tpu.memref_slice %arg2[%add3A, %dma_wait3A, %dma_wait3A_20] : memref<32x125x80xi32, #tpu.memory_space<hbm>> -> memref<1x125x80xi32, #tpu.memory_space<hbm>>
      %dma_wait3A_22 = tpu.memref_squeeze %dma_wait3A_21 : memref<1x125x80xi32, #tpu.memory_space<hbm>> -> memref<125x80xi32, #tpu.memory_space<hbm>>
      %dma_wait3A_23 = arith.constant 0 : i32
      %dma_wait3A_24 = arith.constant 0 : i32
      %dma_wait3A_25 = tpu.memref_slice %arg2[%add3A, %dma_wait3A_23, %dma_wait3A_24] : memref<32x125x80xi32, #tpu.memory_space<hbm>> -> memref<1x125x80xi32, #tpu.memory_space<hbm>>
      %dma_wait3A_26 = tpu.memref_squeeze %dma_wait3A_25 : memref<1x125x80xi32, #tpu.memory_space<hbm>> -> memref<125x80xi32, #tpu.memory_space<hbm>>
      tpu.wait_dma2 semaphore(%run_scoped3A : memref<!tpu.dma_semaphore, #tpu.memory_space<semaphore_mem>>) src(%dma_wait3A_26 : memref<125x80xi32, #tpu.memory_space<hbm>>) dst(%arg6 : memref<125x80xi32, #tpu.memory_space<vmem>>)
      tpu.yield
    }) : () -> ()
    %barrier3A = arith.constant 0 : index
    tpu.barrier barrier_id(%barrier3A)
    %scan3A = arith.constant 0 : i32
    %scan3A_3 = arith.constant 0 : i32
    %scan3A_4 = arith.constant 125 : i32
    %scan3A_5 = arith.addi %scan3A_3, %scan3A_4 : i32
    %scan3A_6 = arith.constant 1 : i32
    scf.for %scan3A_13 = %scan3A_3 to %scan3A_5 step %scan3A_6  : i32 {
      "tpu.region"() ({
        %run_scoped3A = tpu.sem_alloc : memref<!tpu.dma_semaphore, #tpu.memory_space<semaphore_mem>>
        %dma_start3A = arith.constant 0 : i32
        %dma_start3A_14 = tpu.memref_slice %arg6[%scan3A_13, %dma_start3A] : memref<125x80xi32, #tpu.memory_space<vmem>> -> memref<1x80xi32, #tpu.memory_space<vmem>>
        %dma_start3A_15 = tpu.memref_squeeze %dma_start3A_14 : memref<1x80xi32, #tpu.memory_space<vmem>> -> memref<80xi32, #tpu.memory_space<vmem>>
        %dma_start3A_16 = arith.constant 0 : i32
        %dma_start3A_17 = tpu.memref_slice %arg8[%dma_start3A_16] : memref<10240xf32, #tpu.memory_space<vmem_shared>> -> memref<10240xf32, #tpu.memory_space<vmem_shared>>
        tpu.enqueue_indirect_dma source(%arg7 : memref<80xf32, #tpu.memory_space<vmem>>) target(%dma_start3A_17 : memref<10240xf32, #tpu.memory_space<vmem_shared>>) offsets(%dma_start3A_15 : memref<80xi32, #tpu.memory_space<vmem>>) semaphore(%run_scoped3A : memref<!tpu.dma_semaphore, #tpu.memory_space<semaphore_mem>>) {add = true}
        %dma_wait3A = arith.constant 0 : i32
        %dma_wait3A_18 = tpu.memref_slice %arg6[%scan3A_13, %dma_wait3A] : memref<125x80xi32, #tpu.memory_space<vmem>> -> memref<1x80xi32, #tpu.memory_space<vmem>>
        %dma_wait3A_19 = tpu.memref_squeeze %dma_wait3A_18 : memref<1x80xi32, #tpu.memory_space<vmem>> -> memref<80xi32, #tpu.memory_space<vmem>>
        %dma_wait3A_20 = arith.constant 0 : i32
        %dma_wait3A_21 = tpu.memref_slice %arg8[%dma_wait3A_20] : memref<10240xf32, #tpu.memory_space<vmem_shared>> -> memref<10240xf32, #tpu.memory_space<vmem_shared>>
        tpu.wait_indirect_dma semaphore(%run_scoped3A : memref<!tpu.dma_semaphore, #tpu.memory_space<semaphore_mem>>) src(%arg7 : memref<80xf32, #tpu.memory_space<vmem>>) dst(%dma_wait3A_21 : memref<10240xf32, #tpu.memory_space<vmem_shared>>)
        tpu.yield
      }) : () -> ()
    }
    %scan3A_7 = arith.constant 125 : i32
    %barrier3A_8 = arith.constant 0 : index
    tpu.barrier barrier_id(%barrier3A_8)
    %mul3A_9 = arith.constant 640 : i32
    %mul3A_10 = arith.muli %arg1, %mul3A_9 : i32
    %mul3A_11 = arith.constant 640 : i32
    %mul3A_12 = arith.muli %arg1, %mul3A_11 : i32
    "tpu.region"() ({
      %run_scoped3A = tpu.sem_alloc : memref<!tpu.dma_semaphore, #tpu.memory_space<semaphore_mem>>
      %dma_start3A = tpu.memref_slice %arg5[%arg0, %mul3A_12] : memref<2x10240xf32, #tpu.memory_space<hbm>> -> memref<1x640xf32, #tpu.memory_space<hbm>>
      %dma_start3A_13 = tpu.memref_squeeze %dma_start3A : memref<1x640xf32, #tpu.memory_space<hbm>> -> memref<640xf32, #tpu.memory_space<hbm>>
      %dma_start3A_14 = tpu.memref_slice %arg8[%mul3A_10] : memref<10240xf32, #tpu.memory_space<vmem_shared>> -> memref<640xf32, #tpu.memory_space<vmem_shared>>
      tpu.enqueue_dma source(%dma_start3A_14 : memref<640xf32, #tpu.memory_space<vmem_shared>>) target(%dma_start3A_13 : memref<640xf32, #tpu.memory_space<hbm>>) target_semaphore(%run_scoped3A : memref<!tpu.dma_semaphore, #tpu.memory_space<semaphore_mem>>)
      %dma_wait3A = tpu.memref_slice %arg5[%arg0, %mul3A_12] : memref<2x10240xf32, #tpu.memory_space<hbm>> -> memref<1x640xf32, #tpu.memory_space<hbm>>
      %dma_wait3A_15 = tpu.memref_squeeze %dma_wait3A : memref<1x640xf32, #tpu.memory_space<hbm>> -> memref<640xf32, #tpu.memory_space<hbm>>
      %dma_wait3A_16 = tpu.memref_slice %arg8[%mul3A_10] : memref<10240xf32, #tpu.memory_space<vmem_shared>> -> memref<640xf32, #tpu.memory_space<vmem_shared>>
      tpu.wait_dma2 semaphore(%run_scoped3A : memref<!tpu.dma_semaphore, #tpu.memory_space<semaphore_mem>>) src(%dma_wait3A_16 : memref<640xf32, #tpu.memory_space<vmem_shared>>) dst(%dma_wait3A_15 : memref<640xf32, #tpu.memory_space<hbm>>)
      tpu.yield
    }) : () -> ()
    return
  }
}

#map = affine_map<(d0, d1) -> (0, 0)>
#map1 = affine_map<(d0, d1) -> (0, 0, 0)>
module attributes {stable_mosaic.version = 14 : i64} {
  func.func @_sc_spmm(%arg0: i32, %arg1: i32, %arg2: memref<10000x128xf32, #tpu.memory_space<hbm>>, %arg3: memref<32x125x80xi32, #tpu.memory_space<hbm>>, %arg4: memref<32x125x80xi32, #tpu.memory_space<hbm>>, %arg5: memref<632x128xf32, #tpu.memory_space<hbm>>, %arg6: memref<2x10112x128xf32, #tpu.memory_space<hbm>>, %arg7: memref<125x80xi32, #tpu.memory_space<vmem>>, %arg8: memref<125x80xi32, #tpu.memory_space<vmem>>, %arg9: memref<80x128xf32, #tpu.memory_space<vmem>>, %arg10: memref<10112x128xf32, #tpu.memory_space<vmem_shared>>, %arg11: memref<!tpu.dma_semaphore, #tpu.memory_space<semaphore_mem>>) attributes {dimension_semantics = [#tpu.dimension_semantics<core_parallel>, #tpu.dimension_semantics<subcore_parallel>], iteration_bounds = array<i64: 2, 16>, scalar_prefetch = 0 : i64, scratch_operands = 5 : i64, tpu.core_type = #tpu.core_type<sc_vector_subcore>, window_params = [{transform_indices = #map}, {transform_indices = #map1}, {transform_indices = #map1}, {transform_indices = #map}, {transform_indices = #map1}]} {
    %mul3A = arith.constant 2 : i32
    %mul3A_0 = arith.muli %arg1, %mul3A : i32
    %add3A = arith.addi %mul3A_0, %arg0 : i32
    %mul3A_1 = arith.constant 632 : i32
    %mul3A_2 = arith.muli %arg1, %mul3A_1 : i32
    "tpu.region"() ({
      %run_scoped3A = tpu.sem_alloc : memref<!tpu.dma_semaphore, #tpu.memory_space<semaphore_mem>>
      %dma_start3A = arith.constant 0 : i32
      %dma_start3A_13 = tpu.memref_slice %arg10[%mul3A_2, %dma_start3A] : memref<10112x128xf32, #tpu.memory_space<vmem_shared>> -> memref<632x128xf32, #tpu.memory_space<vmem_shared>>
      tpu.enqueue_dma source(%arg5 : memref<632x128xf32, #tpu.memory_space<hbm>>) target(%dma_start3A_13 : memref<632x128xf32, #tpu.memory_space<vmem_shared>>) target_semaphore(%run_scoped3A : memref<!tpu.dma_semaphore, #tpu.memory_space<semaphore_mem>>)
      %dma_wait3A = arith.constant 0 : i32
      %dma_wait3A_14 = tpu.memref_slice %arg10[%mul3A_2, %dma_wait3A] : memref<10112x128xf32, #tpu.memory_space<vmem_shared>> -> memref<632x128xf32, #tpu.memory_space<vmem_shared>>
      tpu.wait_dma2 semaphore(%run_scoped3A : memref<!tpu.dma_semaphore, #tpu.memory_space<semaphore_mem>>) src(%arg5 : memref<632x128xf32, #tpu.memory_space<hbm>>) dst(%dma_wait3A_14 : memref<632x128xf32, #tpu.memory_space<vmem_shared>>)
      tpu.yield
    }) : () -> ()
    "tpu.region"() ({
      %run_scoped3A = tpu.sem_alloc : memref<!tpu.dma_semaphore, #tpu.memory_space<semaphore_mem>>
      %dma_start3A = arith.constant 0 : i32
      %dma_start3A_13 = arith.constant 0 : i32
      %dma_start3A_14 = tpu.memref_slice %arg3[%add3A, %dma_start3A, %dma_start3A_13] : memref<32x125x80xi32, #tpu.memory_space<hbm>> -> memref<1x125x80xi32, #tpu.memory_space<hbm>>
      %dma_start3A_15 = tpu.memref_squeeze %dma_start3A_14 : memref<1x125x80xi32, #tpu.memory_space<hbm>> -> memref<125x80xi32, #tpu.memory_space<hbm>>
      %dma_start3A_16 = arith.constant 0 : i32
      %dma_start3A_17 = arith.constant 0 : i32
      %dma_start3A_18 = tpu.memref_slice %arg3[%add3A, %dma_start3A_16, %dma_start3A_17] : memref<32x125x80xi32, #tpu.memory_space<hbm>> -> memref<1x125x80xi32, #tpu.memory_space<hbm>>
      %dma_start3A_19 = tpu.memref_squeeze %dma_start3A_18 : memref<1x125x80xi32, #tpu.memory_space<hbm>> -> memref<125x80xi32, #tpu.memory_space<hbm>>
      tpu.enqueue_dma source(%dma_start3A_19 : memref<125x80xi32, #tpu.memory_space<hbm>>) target(%arg7 : memref<125x80xi32, #tpu.memory_space<vmem>>) target_semaphore(%run_scoped3A : memref<!tpu.dma_semaphore, #tpu.memory_space<semaphore_mem>>)
      %dma_wait3A = arith.constant 0 : i32
      %dma_wait3A_20 = arith.constant 0 : i32
      %dma_wait3A_21 = tpu.memref_slice %arg3[%add3A, %dma_wait3A, %dma_wait3A_20] : memref<32x125x80xi32, #tpu.memory_space<hbm>> -> memref<1x125x80xi32, #tpu.memory_space<hbm>>
      %dma_wait3A_22 = tpu.memref_squeeze %dma_wait3A_21 : memref<1x125x80xi32, #tpu.memory_space<hbm>> -> memref<125x80xi32, #tpu.memory_space<hbm>>
      %dma_wait3A_23 = arith.constant 0 : i32
      %dma_wait3A_24 = arith.constant 0 : i32
      %dma_wait3A_25 = tpu.memref_slice %arg3[%add3A, %dma_wait3A_23, %dma_wait3A_24] : memref<32x125x80xi32, #tpu.memory_space<hbm>> -> memref<1x125x80xi32, #tpu.memory_space<hbm>>
      %dma_wait3A_26 = tpu.memref_squeeze %dma_wait3A_25 : memref<1x125x80xi32, #tpu.memory_space<hbm>> -> memref<125x80xi32, #tpu.memory_space<hbm>>
      tpu.wait_dma2 semaphore(%run_scoped3A : memref<!tpu.dma_semaphore, #tpu.memory_space<semaphore_mem>>) src(%dma_wait3A_26 : memref<125x80xi32, #tpu.memory_space<hbm>>) dst(%arg7 : memref<125x80xi32, #tpu.memory_space<vmem>>)
      tpu.yield
    }) : () -> ()
    "tpu.region"() ({
      %run_scoped3A = tpu.sem_alloc : memref<!tpu.dma_semaphore, #tpu.memory_space<semaphore_mem>>
      %dma_start3A = arith.constant 0 : i32
      %dma_start3A_13 = arith.constant 0 : i32
      %dma_start3A_14 = tpu.memref_slice %arg4[%add3A, %dma_start3A, %dma_start3A_13] : memref<32x125x80xi32, #tpu.memory_space<hbm>> -> memref<1x125x80xi32, #tpu.memory_space<hbm>>
      %dma_start3A_15 = tpu.memref_squeeze %dma_start3A_14 : memref<1x125x80xi32, #tpu.memory_space<hbm>> -> memref<125x80xi32, #tpu.memory_space<hbm>>
      %dma_start3A_16 = arith.constant 0 : i32
      %dma_start3A_17 = arith.constant 0 : i32
      %dma_start3A_18 = tpu.memref_slice %arg4[%add3A, %dma_start3A_16, %dma_start3A_17] : memref<32x125x80xi32, #tpu.memory_space<hbm>> -> memref<1x125x80xi32, #tpu.memory_space<hbm>>
      %dma_start3A_19 = tpu.memref_squeeze %dma_start3A_18 : memref<1x125x80xi32, #tpu.memory_space<hbm>> -> memref<125x80xi32, #tpu.memory_space<hbm>>
      tpu.enqueue_dma source(%dma_start3A_19 : memref<125x80xi32, #tpu.memory_space<hbm>>) target(%arg8 : memref<125x80xi32, #tpu.memory_space<vmem>>) target_semaphore(%run_scoped3A : memref<!tpu.dma_semaphore, #tpu.memory_space<semaphore_mem>>)
      %dma_wait3A = arith.constant 0 : i32
      %dma_wait3A_20 = arith.constant 0 : i32
      %dma_wait3A_21 = tpu.memref_slice %arg4[%add3A, %dma_wait3A, %dma_wait3A_20] : memref<32x125x80xi32, #tpu.memory_space<hbm>> -> memref<1x125x80xi32, #tpu.memory_space<hbm>>
      %dma_wait3A_22 = tpu.memref_squeeze %dma_wait3A_21 : memref<1x125x80xi32, #tpu.memory_space<hbm>> -> memref<125x80xi32, #tpu.memory_space<hbm>>
      %dma_wait3A_23 = arith.constant 0 : i32
      %dma_wait3A_24 = arith.constant 0 : i32
      %dma_wait3A_25 = tpu.memref_slice %arg4[%add3A, %dma_wait3A_23, %dma_wait3A_24] : memref<32x125x80xi32, #tpu.memory_space<hbm>> -> memref<1x125x80xi32, #tpu.memory_space<hbm>>
      %dma_wait3A_26 = tpu.memref_squeeze %dma_wait3A_25 : memref<1x125x80xi32, #tpu.memory_space<hbm>> -> memref<125x80xi32, #tpu.memory_space<hbm>>
      tpu.wait_dma2 semaphore(%run_scoped3A : memref<!tpu.dma_semaphore, #tpu.memory_space<semaphore_mem>>) src(%dma_wait3A_26 : memref<125x80xi32, #tpu.memory_space<hbm>>) dst(%arg8 : memref<125x80xi32, #tpu.memory_space<vmem>>)
      tpu.yield
    }) : () -> ()
    %barrier3A = arith.constant 0 : index
    tpu.barrier barrier_id(%barrier3A)
    %scan3A = arith.constant 0 : i32
    %scan3A_3 = arith.constant 0 : i32
    %scan3A_4 = arith.constant 125 : i32
    %scan3A_5 = arith.addi %scan3A_3, %scan3A_4 : i32
    %scan3A_6 = arith.constant 1 : i32
    scf.for %scan3A_13 = %scan3A_3 to %scan3A_5 step %scan3A_6  : i32 {
      %dma_start3A = arith.constant 0 : i32
      %dma_start3A_14 = tpu.memref_slice %arg7[%scan3A_13, %dma_start3A] : memref<125x80xi32, #tpu.memory_space<vmem>> -> memref<1x80xi32, #tpu.memory_space<vmem>>
      %dma_start3A_15 = tpu.memref_squeeze %dma_start3A_14 : memref<1x80xi32, #tpu.memory_space<vmem>> -> memref<80xi32, #tpu.memory_space<vmem>>
      %dma_start3A_16 = arith.constant 0 : i32
      %dma_start3A_17 = arith.constant 0 : i32
      %dma_start3A_18 = tpu.memref_slice %arg2[%dma_start3A_16, %dma_start3A_17] : memref<10000x128xf32, #tpu.memory_space<hbm>> -> memref<10000x128xf32, #tpu.memory_space<hbm>>
      tpu.enqueue_indirect_dma source(%dma_start3A_18 : memref<10000x128xf32, #tpu.memory_space<hbm>>) target(%arg9 : memref<80x128xf32, #tpu.memory_space<vmem>>) offsets(%dma_start3A_15 : memref<80xi32, #tpu.memory_space<vmem>>) semaphore(%arg11 : memref<!tpu.dma_semaphore, #tpu.memory_space<semaphore_mem>>)
      %dma_wait3A = arith.constant 0 : i32
      %dma_wait3A_19 = tpu.memref_slice %arg7[%scan3A_13, %dma_wait3A] : memref<125x80xi32, #tpu.memory_space<vmem>> -> memref<1x80xi32, #tpu.memory_space<vmem>>
      %dma_wait3A_20 = tpu.memref_squeeze %dma_wait3A_19 : memref<1x80xi32, #tpu.memory_space<vmem>> -> memref<80xi32, #tpu.memory_space<vmem>>
      %dma_wait3A_21 = arith.constant 0 : i32
      %dma_wait3A_22 = arith.constant 0 : i32
      %dma_wait3A_23 = tpu.memref_slice %arg2[%dma_wait3A_21, %dma_wait3A_22] : memref<10000x128xf32, #tpu.memory_space<hbm>> -> memref<10000x128xf32, #tpu.memory_space<hbm>>
      tpu.wait_indirect_dma semaphore(%arg11 : memref<!tpu.dma_semaphore, #tpu.memory_space<semaphore_mem>>) src(%dma_wait3A_23 : memref<10000x128xf32, #tpu.memory_space<hbm>>) dst(%arg9 : memref<80x128xf32, #tpu.memory_space<vmem>>)
      "tpu.region"() ({
        %run_scoped3A = tpu.sem_alloc : memref<!tpu.dma_semaphore, #tpu.memory_space<semaphore_mem>>
        %dma_start3A_24 = arith.constant 0 : i32
        %dma_start3A_25 = tpu.memref_slice %arg8[%scan3A_13, %dma_start3A_24] : memref<125x80xi32, #tpu.memory_space<vmem>> -> memref<1x80xi32, #tpu.memory_space<vmem>>
        %dma_start3A_26 = tpu.memref_squeeze %dma_start3A_25 : memref<1x80xi32, #tpu.memory_space<vmem>> -> memref<80xi32, #tpu.memory_space<vmem>>
        %dma_start3A_27 = arith.constant 0 : i32
        %dma_start3A_28 = arith.constant 0 : i32
        %dma_start3A_29 = tpu.memref_slice %arg10[%dma_start3A_27, %dma_start3A_28] : memref<10112x128xf32, #tpu.memory_space<vmem_shared>> -> memref<10112x128xf32, #tpu.memory_space<vmem_shared>>
        tpu.enqueue_indirect_dma source(%arg9 : memref<80x128xf32, #tpu.memory_space<vmem>>) target(%dma_start3A_29 : memref<10112x128xf32, #tpu.memory_space<vmem_shared>>) offsets(%dma_start3A_26 : memref<80xi32, #tpu.memory_space<vmem>>) semaphore(%run_scoped3A : memref<!tpu.dma_semaphore, #tpu.memory_space<semaphore_mem>>) {add = true}
        %dma_wait3A_30 = arith.constant 0 : i32
        %dma_wait3A_31 = tpu.memref_slice %arg8[%scan3A_13, %dma_wait3A_30] : memref<125x80xi32, #tpu.memory_space<vmem>> -> memref<1x80xi32, #tpu.memory_space<vmem>>
        %dma_wait3A_32 = tpu.memref_squeeze %dma_wait3A_31 : memref<1x80xi32, #tpu.memory_space<vmem>> -> memref<80xi32, #tpu.memory_space<vmem>>
        %dma_wait3A_33 = arith.constant 0 : i32
        %dma_wait3A_34 = arith.constant 0 : i32
        %dma_wait3A_35 = tpu.memref_slice %arg10[%dma_wait3A_33, %dma_wait3A_34] : memref<10112x128xf32, #tpu.memory_space<vmem_shared>> -> memref<10112x128xf32, #tpu.memory_space<vmem_shared>>
        tpu.wait_indirect_dma semaphore(%run_scoped3A : memref<!tpu.dma_semaphore, #tpu.memory_space<semaphore_mem>>) src(%arg9 : memref<80x128xf32, #tpu.memory_space<vmem>>) dst(%dma_wait3A_35 : memref<10112x128xf32, #tpu.memory_space<vmem_shared>>)
        tpu.yield
      }) : () -> ()
    }
    %scan3A_7 = arith.constant 125 : i32
    %barrier3A_8 = arith.constant 0 : index
    tpu.barrier barrier_id(%barrier3A_8)
    %mul3A_9 = arith.constant 632 : i32
    %mul3A_10 = arith.muli %arg1, %mul3A_9 : i32
    %mul3A_11 = arith.constant 632 : i32
    %mul3A_12 = arith.muli %arg1, %mul3A_11 : i32
    "tpu.region"() ({
      %run_scoped3A = tpu.sem_alloc : memref<!tpu.dma_semaphore, #tpu.memory_space<semaphore_mem>>
      %dma_start3A = arith.constant 0 : i32
      %dma_start3A_13 = tpu.memref_slice %arg6[%arg0, %mul3A_12, %dma_start3A] : memref<2x10112x128xf32, #tpu.memory_space<hbm>> -> memref<1x632x128xf32, #tpu.memory_space<hbm>>
      %dma_start3A_14 = tpu.memref_squeeze %dma_start3A_13 : memref<1x632x128xf32, #tpu.memory_space<hbm>> -> memref<632x128xf32, #tpu.memory_space<hbm>>
      %dma_start3A_15 = arith.constant 0 : i32
      %dma_start3A_16 = tpu.memref_slice %arg10[%mul3A_10, %dma_start3A_15] : memref<10112x128xf32, #tpu.memory_space<vmem_shared>> -> memref<632x128xf32, #tpu.memory_space<vmem_shared>>
      tpu.enqueue_dma source(%dma_start3A_16 : memref<632x128xf32, #tpu.memory_space<vmem_shared>>) target(%dma_start3A_14 : memref<632x128xf32, #tpu.memory_space<hbm>>) target_semaphore(%run_scoped3A : memref<!tpu.dma_semaphore, #tpu.memory_space<semaphore_mem>>)
      %dma_wait3A = arith.constant 0 : i32
      %dma_wait3A_17 = tpu.memref_slice %arg6[%arg0, %mul3A_12, %dma_wait3A] : memref<2x10112x128xf32, #tpu.memory_space<hbm>> -> memref<1x632x128xf32, #tpu.memory_space<hbm>>
      %dma_wait3A_18 = tpu.memref_squeeze %dma_wait3A_17 : memref<1x632x128xf32, #tpu.memory_space<hbm>> -> memref<632x128xf32, #tpu.memory_space<hbm>>
      %dma_wait3A_19 = arith.constant 0 : i32
      %dma_wait3A_20 = tpu.memref_slice %arg10[%mul3A_10, %dma_wait3A_19] : memref<10112x128xf32, #tpu.memory_space<vmem_shared>> -> memref<632x128xf32, #tpu.memory_space<vmem_shared>>
      tpu.wait_dma2 semaphore(%run_scoped3A : memref<!tpu.dma_semaphore, #tpu.memory_space<semaphore_mem>>) src(%dma_wait3A_20 : memref<632x128xf32, #tpu.memory_space<vmem_shared>>) dst(%dma_wait3A_18 : memref<632x128xf32, #tpu.memory_space<hbm>>)
      tpu.yield
    }) : () -> ()
    return
  }
}

#map = affine_map<(d0, d1) -> (0, 0)>
#map1 = affine_map<(d0, d1) -> (0, 0, 0)>
module attributes {stable_mosaic.version = 14 : i64} {
  func.func @_sc_spmm(%arg0: i32, %arg1: i32, %arg2: memref<10000x128xf32, #tpu.memory_space<hbm>>, %arg3: memref<32x125x80xi32, #tpu.memory_space<hbm>>, %arg4: memref<32x125x80xi32, #tpu.memory_space<hbm>>, %arg5: memref<632x128xf32, #tpu.memory_space<hbm>>, %arg6: memref<2x10112x128xf32, #tpu.memory_space<hbm>>, %arg7: memref<125x80xi32, #tpu.memory_space<vmem>>, %arg8: memref<125x80xi32, #tpu.memory_space<vmem>>, %arg9: memref<80x128xf32, #tpu.memory_space<vmem>>, %arg10: memref<10112x128xf32, #tpu.memory_space<vmem_shared>>, %arg11: memref<!tpu.dma_semaphore, #tpu.memory_space<semaphore_mem>>) attributes {dimension_semantics = [#tpu.dimension_semantics<core_parallel>, #tpu.dimension_semantics<subcore_parallel>], iteration_bounds = array<i64: 2, 16>, scalar_prefetch = 0 : i64, scratch_operands = 5 : i64, tpu.core_type = #tpu.core_type<sc_vector_subcore>, window_params = [{transform_indices = #map}, {transform_indices = #map1}, {transform_indices = #map1}, {transform_indices = #map}, {transform_indices = #map1}]} {
    %mul3A = arith.constant 2 : i32
    %mul3A_0 = arith.muli %arg1, %mul3A : i32
    %add3A = arith.addi %mul3A_0, %arg0 : i32
    %mul3A_1 = arith.constant 632 : i32
    %mul3A_2 = arith.muli %arg1, %mul3A_1 : i32
    "tpu.region"() ({
      %run_scoped3A = tpu.sem_alloc : memref<!tpu.dma_semaphore, #tpu.memory_space<semaphore_mem>>
      %dma_start3A = arith.constant 0 : i32
      %dma_start3A_13 = tpu.memref_slice %arg10[%mul3A_2, %dma_start3A] : memref<10112x128xf32, #tpu.memory_space<vmem_shared>> -> memref<632x128xf32, #tpu.memory_space<vmem_shared>>
      tpu.enqueue_dma source(%arg5 : memref<632x128xf32, #tpu.memory_space<hbm>>) target(%dma_start3A_13 : memref<632x128xf32, #tpu.memory_space<vmem_shared>>) target_semaphore(%run_scoped3A : memref<!tpu.dma_semaphore, #tpu.memory_space<semaphore_mem>>)
      %dma_wait3A = arith.constant 0 : i32
      %dma_wait3A_14 = tpu.memref_slice %arg10[%mul3A_2, %dma_wait3A] : memref<10112x128xf32, #tpu.memory_space<vmem_shared>> -> memref<632x128xf32, #tpu.memory_space<vmem_shared>>
      tpu.wait_dma2 semaphore(%run_scoped3A : memref<!tpu.dma_semaphore, #tpu.memory_space<semaphore_mem>>) src(%arg5 : memref<632x128xf32, #tpu.memory_space<hbm>>) dst(%dma_wait3A_14 : memref<632x128xf32, #tpu.memory_space<vmem_shared>>)
      tpu.yield
    }) : () -> ()
    "tpu.region"() ({
      %run_scoped3A = tpu.sem_alloc : memref<!tpu.dma_semaphore, #tpu.memory_space<semaphore_mem>>
      %dma_start3A = arith.constant 0 : i32
      %dma_start3A_13 = arith.constant 0 : i32
      %dma_start3A_14 = tpu.memref_slice %arg3[%add3A, %dma_start3A, %dma_start3A_13] : memref<32x125x80xi32, #tpu.memory_space<hbm>> -> memref<1x125x80xi32, #tpu.memory_space<hbm>>
      %dma_start3A_15 = tpu.memref_squeeze %dma_start3A_14 : memref<1x125x80xi32, #tpu.memory_space<hbm>> -> memref<125x80xi32, #tpu.memory_space<hbm>>
      %dma_start3A_16 = arith.constant 0 : i32
      %dma_start3A_17 = arith.constant 0 : i32
      %dma_start3A_18 = tpu.memref_slice %arg3[%add3A, %dma_start3A_16, %dma_start3A_17] : memref<32x125x80xi32, #tpu.memory_space<hbm>> -> memref<1x125x80xi32, #tpu.memory_space<hbm>>
      %dma_start3A_19 = tpu.memref_squeeze %dma_start3A_18 : memref<1x125x80xi32, #tpu.memory_space<hbm>> -> memref<125x80xi32, #tpu.memory_space<hbm>>
      tpu.enqueue_dma source(%dma_start3A_19 : memref<125x80xi32, #tpu.memory_space<hbm>>) target(%arg7 : memref<125x80xi32, #tpu.memory_space<vmem>>) target_semaphore(%run_scoped3A : memref<!tpu.dma_semaphore, #tpu.memory_space<semaphore_mem>>)
      %dma_wait3A = arith.constant 0 : i32
      %dma_wait3A_20 = arith.constant 0 : i32
      %dma_wait3A_21 = tpu.memref_slice %arg3[%add3A, %dma_wait3A, %dma_wait3A_20] : memref<32x125x80xi32, #tpu.memory_space<hbm>> -> memref<1x125x80xi32, #tpu.memory_space<hbm>>
      %dma_wait3A_22 = tpu.memref_squeeze %dma_wait3A_21 : memref<1x125x80xi32, #tpu.memory_space<hbm>> -> memref<125x80xi32, #tpu.memory_space<hbm>>
      %dma_wait3A_23 = arith.constant 0 : i32
      %dma_wait3A_24 = arith.constant 0 : i32
      %dma_wait3A_25 = tpu.memref_slice %arg3[%add3A, %dma_wait3A_23, %dma_wait3A_24] : memref<32x125x80xi32, #tpu.memory_space<hbm>> -> memref<1x125x80xi32, #tpu.memory_space<hbm>>
      %dma_wait3A_26 = tpu.memref_squeeze %dma_wait3A_25 : memref<1x125x80xi32, #tpu.memory_space<hbm>> -> memref<125x80xi32, #tpu.memory_space<hbm>>
      tpu.wait_dma2 semaphore(%run_scoped3A : memref<!tpu.dma_semaphore, #tpu.memory_space<semaphore_mem>>) src(%dma_wait3A_26 : memref<125x80xi32, #tpu.memory_space<hbm>>) dst(%arg7 : memref<125x80xi32, #tpu.memory_space<vmem>>)
      tpu.yield
    }) : () -> ()
    "tpu.region"() ({
      %run_scoped3A = tpu.sem_alloc : memref<!tpu.dma_semaphore, #tpu.memory_space<semaphore_mem>>
      %dma_start3A = arith.constant 0 : i32
      %dma_start3A_13 = arith.constant 0 : i32
      %dma_start3A_14 = tpu.memref_slice %arg4[%add3A, %dma_start3A, %dma_start3A_13] : memref<32x125x80xi32, #tpu.memory_space<hbm>> -> memref<1x125x80xi32, #tpu.memory_space<hbm>>
      %dma_start3A_15 = tpu.memref_squeeze %dma_start3A_14 : memref<1x125x80xi32, #tpu.memory_space<hbm>> -> memref<125x80xi32, #tpu.memory_space<hbm>>
      %dma_start3A_16 = arith.constant 0 : i32
      %dma_start3A_17 = arith.constant 0 : i32
      %dma_start3A_18 = tpu.memref_slice %arg4[%add3A, %dma_start3A_16, %dma_start3A_17] : memref<32x125x80xi32, #tpu.memory_space<hbm>> -> memref<1x125x80xi32, #tpu.memory_space<hbm>>
      %dma_start3A_19 = tpu.memref_squeeze %dma_start3A_18 : memref<1x125x80xi32, #tpu.memory_space<hbm>> -> memref<125x80xi32, #tpu.memory_space<hbm>>
      tpu.enqueue_dma source(%dma_start3A_19 : memref<125x80xi32, #tpu.memory_space<hbm>>) target(%arg8 : memref<125x80xi32, #tpu.memory_space<vmem>>) target_semaphore(%run_scoped3A : memref<!tpu.dma_semaphore, #tpu.memory_space<semaphore_mem>>)
      %dma_wait3A = arith.constant 0 : i32
      %dma_wait3A_20 = arith.constant 0 : i32
      %dma_wait3A_21 = tpu.memref_slice %arg4[%add3A, %dma_wait3A, %dma_wait3A_20] : memref<32x125x80xi32, #tpu.memory_space<hbm>> -> memref<1x125x80xi32, #tpu.memory_space<hbm>>
      %dma_wait3A_22 = tpu.memref_squeeze %dma_wait3A_21 : memref<1x125x80xi32, #tpu.memory_space<hbm>> -> memref<125x80xi32, #tpu.memory_space<hbm>>
      %dma_wait3A_23 = arith.constant 0 : i32
      %dma_wait3A_24 = arith.constant 0 : i32
      %dma_wait3A_25 = tpu.memref_slice %arg4[%add3A, %dma_wait3A_23, %dma_wait3A_24] : memref<32x125x80xi32, #tpu.memory_space<hbm>> -> memref<1x125x80xi32, #tpu.memory_space<hbm>>
      %dma_wait3A_26 = tpu.memref_squeeze %dma_wait3A_25 : memref<1x125x80xi32, #tpu.memory_space<hbm>> -> memref<125x80xi32, #tpu.memory_space<hbm>>
      tpu.wait_dma2 semaphore(%run_scoped3A : memref<!tpu.dma_semaphore, #tpu.memory_space<semaphore_mem>>) src(%dma_wait3A_26 : memref<125x80xi32, #tpu.memory_space<hbm>>) dst(%arg8 : memref<125x80xi32, #tpu.memory_space<vmem>>)
      tpu.yield
    }) : () -> ()
    %barrier3A = arith.constant 0 : index
    tpu.barrier barrier_id(%barrier3A)
    %scan3A = arith.constant 0 : i32
    %scan3A_3 = arith.constant 0 : i32
    %scan3A_4 = arith.constant 125 : i32
    %scan3A_5 = arith.addi %scan3A_3, %scan3A_4 : i32
    %scan3A_6 = arith.constant 1 : i32
    scf.for %scan3A_13 = %scan3A_3 to %scan3A_5 step %scan3A_6  : i32 {
      %dma_start3A = arith.constant 0 : i32
      %dma_start3A_14 = tpu.memref_slice %arg7[%scan3A_13, %dma_start3A] : memref<125x80xi32, #tpu.memory_space<vmem>> -> memref<1x80xi32, #tpu.memory_space<vmem>>
      %dma_start3A_15 = tpu.memref_squeeze %dma_start3A_14 : memref<1x80xi32, #tpu.memory_space<vmem>> -> memref<80xi32, #tpu.memory_space<vmem>>
      %dma_start3A_16 = arith.constant 0 : i32
      %dma_start3A_17 = arith.constant 0 : i32
      %dma_start3A_18 = tpu.memref_slice %arg2[%dma_start3A_16, %dma_start3A_17] : memref<10000x128xf32, #tpu.memory_space<hbm>> -> memref<10000x128xf32, #tpu.memory_space<hbm>>
      tpu.enqueue_indirect_dma source(%dma_start3A_18 : memref<10000x128xf32, #tpu.memory_space<hbm>>) target(%arg9 : memref<80x128xf32, #tpu.memory_space<vmem>>) offsets(%dma_start3A_15 : memref<80xi32, #tpu.memory_space<vmem>>) semaphore(%arg11 : memref<!tpu.dma_semaphore, #tpu.memory_space<semaphore_mem>>)
      %dma_wait3A = arith.constant 0 : i32
      %dma_wait3A_19 = tpu.memref_slice %arg7[%scan3A_13, %dma_wait3A] : memref<125x80xi32, #tpu.memory_space<vmem>> -> memref<1x80xi32, #tpu.memory_space<vmem>>
      %dma_wait3A_20 = tpu.memref_squeeze %dma_wait3A_19 : memref<1x80xi32, #tpu.memory_space<vmem>> -> memref<80xi32, #tpu.memory_space<vmem>>
      %dma_wait3A_21 = arith.constant 0 : i32
      %dma_wait3A_22 = arith.constant 0 : i32
      %dma_wait3A_23 = tpu.memref_slice %arg2[%dma_wait3A_21, %dma_wait3A_22] : memref<10000x128xf32, #tpu.memory_space<hbm>> -> memref<10000x128xf32, #tpu.memory_space<hbm>>
      tpu.wait_indirect_dma semaphore(%arg11 : memref<!tpu.dma_semaphore, #tpu.memory_space<semaphore_mem>>) src(%dma_wait3A_23 : memref<10000x128xf32, #tpu.memory_space<hbm>>) dst(%arg9 : memref<80x128xf32, #tpu.memory_space<vmem>>)
      "tpu.region"() ({
        %run_scoped3A = tpu.sem_alloc : memref<!tpu.dma_semaphore, #tpu.memory_space<semaphore_mem>>
        %dma_start3A_24 = arith.constant 0 : i32
        %dma_start3A_25 = tpu.memref_slice %arg8[%scan3A_13, %dma_start3A_24] : memref<125x80xi32, #tpu.memory_space<vmem>> -> memref<1x80xi32, #tpu.memory_space<vmem>>
        %dma_start3A_26 = tpu.memref_squeeze %dma_start3A_25 : memref<1x80xi32, #tpu.memory_space<vmem>> -> memref<80xi32, #tpu.memory_space<vmem>>
        %dma_start3A_27 = arith.constant 0 : i32
        %dma_start3A_28 = arith.constant 0 : i32
        %dma_start3A_29 = tpu.memref_slice %arg10[%dma_start3A_27, %dma_start3A_28] : memref<10112x128xf32, #tpu.memory_space<vmem_shared>> -> memref<10112x128xf32, #tpu.memory_space<vmem_shared>>
        tpu.enqueue_indirect_dma source(%arg9 : memref<80x128xf32, #tpu.memory_space<vmem>>) target(%dma_start3A_29 : memref<10112x128xf32, #tpu.memory_space<vmem_shared>>) offsets(%dma_start3A_26 : memref<80xi32, #tpu.memory_space<vmem>>) semaphore(%run_scoped3A : memref<!tpu.dma_semaphore, #tpu.memory_space<semaphore_mem>>) {add = true}
        %dma_wait3A_30 = arith.constant 0 : i32
        %dma_wait3A_31 = tpu.memref_slice %arg8[%scan3A_13, %dma_wait3A_30] : memref<125x80xi32, #tpu.memory_space<vmem>> -> memref<1x80xi32, #tpu.memory_space<vmem>>
        %dma_wait3A_32 = tpu.memref_squeeze %dma_wait3A_31 : memref<1x80xi32, #tpu.memory_space<vmem>> -> memref<80xi32, #tpu.memory_space<vmem>>
        %dma_wait3A_33 = arith.constant 0 : i32
        %dma_wait3A_34 = arith.constant 0 : i32
        %dma_wait3A_35 = tpu.memref_slice %arg10[%dma_wait3A_33, %dma_wait3A_34] : memref<10112x128xf32, #tpu.memory_space<vmem_shared>> -> memref<10112x128xf32, #tpu.memory_space<vmem_shared>>
        tpu.wait_indirect_dma semaphore(%run_scoped3A : memref<!tpu.dma_semaphore, #tpu.memory_space<semaphore_mem>>) src(%arg9 : memref<80x128xf32, #tpu.memory_space<vmem>>) dst(%dma_wait3A_35 : memref<10112x128xf32, #tpu.memory_space<vmem_shared>>)
        tpu.yield
      }) : () -> ()
    }
    %scan3A_7 = arith.constant 125 : i32
    %barrier3A_8 = arith.constant 0 : index
    tpu.barrier barrier_id(%barrier3A_8)
    %mul3A_9 = arith.constant 632 : i32
    %mul3A_10 = arith.muli %arg1, %mul3A_9 : i32
    %mul3A_11 = arith.constant 632 : i32
    %mul3A_12 = arith.muli %arg1, %mul3A_11 : i32
    "tpu.region"() ({
      %run_scoped3A = tpu.sem_alloc : memref<!tpu.dma_semaphore, #tpu.memory_space<semaphore_mem>>
      %dma_start3A = arith.constant 0 : i32
      %dma_start3A_13 = tpu.memref_slice %arg6[%arg0, %mul3A_12, %dma_start3A] : memref<2x10112x128xf32, #tpu.memory_space<hbm>> -> memref<1x632x128xf32, #tpu.memory_space<hbm>>
      %dma_start3A_14 = tpu.memref_squeeze %dma_start3A_13 : memref<1x632x128xf32, #tpu.memory_space<hbm>> -> memref<632x128xf32, #tpu.memory_space<hbm>>
      %dma_start3A_15 = arith.constant 0 : i32
      %dma_start3A_16 = tpu.memref_slice %arg10[%mul3A_10, %dma_start3A_15] : memref<10112x128xf32, #tpu.memory_space<vmem_shared>> -> memref<632x128xf32, #tpu.memory_space<vmem_shared>>
      tpu.enqueue_dma source(%dma_start3A_16 : memref<632x128xf32, #tpu.memory_space<vmem_shared>>) target(%dma_start3A_14 : memref<632x128xf32, #tpu.memory_space<hbm>>) target_semaphore(%run_scoped3A : memref<!tpu.dma_semaphore, #tpu.memory_space<semaphore_mem>>)
      %dma_wait3A = arith.constant 0 : i32
      %dma_wait3A_17 = tpu.memref_slice %arg6[%arg0, %mul3A_12, %dma_wait3A] : memref<2x10112x128xf32, #tpu.memory_space<hbm>> -> memref<1x632x128xf32, #tpu.memory_space<hbm>>
      %dma_wait3A_18 = tpu.memref_squeeze %dma_wait3A_17 : memref<1x632x128xf32, #tpu.memory_space<hbm>> -> memref<632x128xf32, #tpu.memory_space<hbm>>
      %dma_wait3A_19 = arith.constant 0 : i32
      %dma_wait3A_20 = tpu.memref_slice %arg10[%mul3A_10, %dma_wait3A_19] : memref<10112x128xf32, #tpu.memory_space<vmem_shared>> -> memref<632x128xf32, #tpu.memory_space<vmem_shared>>
      tpu.wait_dma2 semaphore(%run_scoped3A : memref<!tpu.dma_semaphore, #tpu.memory_space<semaphore_mem>>) src(%dma_wait3A_20 : memref<632x128xf32, #tpu.memory_space<vmem_shared>>) dst(%dma_wait3A_18 : memref<632x128xf32, #tpu.memory_space<hbm>>)
      tpu.yield
    }) : () -> ()
    return
  }
}

#map = affine_map<(d0, d1) -> (0, 0)>
#map1 = affine_map<(d0, d1) -> (0, 0, 0)>
module attributes {stable_mosaic.version = 14 : i64} {
  func.func @_sc_spmm(%arg0: i32, %arg1: i32, %arg2: memref<10000x128xf32, #tpu.memory_space<hbm>>, %arg3: memref<32x125x80xi32, #tpu.memory_space<hbm>>, %arg4: memref<32x125x80xi32, #tpu.memory_space<hbm>>, %arg5: memref<632x128xf32, #tpu.memory_space<hbm>>, %arg6: memref<2x10112x128xf32, #tpu.memory_space<hbm>>, %arg7: memref<125x80xi32, #tpu.memory_space<vmem>>, %arg8: memref<125x80xi32, #tpu.memory_space<vmem>>, %arg9: memref<80x128xf32, #tpu.memory_space<vmem>>, %arg10: memref<10112x128xf32, #tpu.memory_space<vmem_shared>>, %arg11: memref<!tpu.dma_semaphore, #tpu.memory_space<semaphore_mem>>) attributes {dimension_semantics = [#tpu.dimension_semantics<core_parallel>, #tpu.dimension_semantics<subcore_parallel>], iteration_bounds = array<i64: 2, 16>, scalar_prefetch = 0 : i64, scratch_operands = 5 : i64, tpu.core_type = #tpu.core_type<sc_vector_subcore>, window_params = [{transform_indices = #map}, {transform_indices = #map1}, {transform_indices = #map1}, {transform_indices = #map}, {transform_indices = #map1}]} {
    %mul3A = arith.constant 2 : i32
    %mul3A_0 = arith.muli %arg1, %mul3A : i32
    %add3A = arith.addi %mul3A_0, %arg0 : i32
    %mul3A_1 = arith.constant 632 : i32
    %mul3A_2 = arith.muli %arg1, %mul3A_1 : i32
    "tpu.region"() ({
      %run_scoped3A = tpu.sem_alloc : memref<!tpu.dma_semaphore, #tpu.memory_space<semaphore_mem>>
      %dma_start3A = arith.constant 0 : i32
      %dma_start3A_13 = tpu.memref_slice %arg10[%mul3A_2, %dma_start3A] : memref<10112x128xf32, #tpu.memory_space<vmem_shared>> -> memref<632x128xf32, #tpu.memory_space<vmem_shared>>
      tpu.enqueue_dma source(%arg5 : memref<632x128xf32, #tpu.memory_space<hbm>>) target(%dma_start3A_13 : memref<632x128xf32, #tpu.memory_space<vmem_shared>>) target_semaphore(%run_scoped3A : memref<!tpu.dma_semaphore, #tpu.memory_space<semaphore_mem>>)
      %dma_wait3A = arith.constant 0 : i32
      %dma_wait3A_14 = tpu.memref_slice %arg10[%mul3A_2, %dma_wait3A] : memref<10112x128xf32, #tpu.memory_space<vmem_shared>> -> memref<632x128xf32, #tpu.memory_space<vmem_shared>>
      tpu.wait_dma2 semaphore(%run_scoped3A : memref<!tpu.dma_semaphore, #tpu.memory_space<semaphore_mem>>) src(%arg5 : memref<632x128xf32, #tpu.memory_space<hbm>>) dst(%dma_wait3A_14 : memref<632x128xf32, #tpu.memory_space<vmem_shared>>)
      tpu.yield
    }) : () -> ()
    "tpu.region"() ({
      %run_scoped3A = tpu.sem_alloc : memref<!tpu.dma_semaphore, #tpu.memory_space<semaphore_mem>>
      %dma_start3A = arith.constant 0 : i32
      %dma_start3A_13 = arith.constant 0 : i32
      %dma_start3A_14 = tpu.memref_slice %arg3[%add3A, %dma_start3A, %dma_start3A_13] : memref<32x125x80xi32, #tpu.memory_space<hbm>> -> memref<1x125x80xi32, #tpu.memory_space<hbm>>
      %dma_start3A_15 = tpu.memref_squeeze %dma_start3A_14 : memref<1x125x80xi32, #tpu.memory_space<hbm>> -> memref<125x80xi32, #tpu.memory_space<hbm>>
      %dma_start3A_16 = arith.constant 0 : i32
      %dma_start3A_17 = arith.constant 0 : i32
      %dma_start3A_18 = tpu.memref_slice %arg3[%add3A, %dma_start3A_16, %dma_start3A_17] : memref<32x125x80xi32, #tpu.memory_space<hbm>> -> memref<1x125x80xi32, #tpu.memory_space<hbm>>
      %dma_start3A_19 = tpu.memref_squeeze %dma_start3A_18 : memref<1x125x80xi32, #tpu.memory_space<hbm>> -> memref<125x80xi32, #tpu.memory_space<hbm>>
      tpu.enqueue_dma source(%dma_start3A_19 : memref<125x80xi32, #tpu.memory_space<hbm>>) target(%arg7 : memref<125x80xi32, #tpu.memory_space<vmem>>) target_semaphore(%run_scoped3A : memref<!tpu.dma_semaphore, #tpu.memory_space<semaphore_mem>>)
      %dma_wait3A = arith.constant 0 : i32
      %dma_wait3A_20 = arith.constant 0 : i32
      %dma_wait3A_21 = tpu.memref_slice %arg3[%add3A, %dma_wait3A, %dma_wait3A_20] : memref<32x125x80xi32, #tpu.memory_space<hbm>> -> memref<1x125x80xi32, #tpu.memory_space<hbm>>
      %dma_wait3A_22 = tpu.memref_squeeze %dma_wait3A_21 : memref<1x125x80xi32, #tpu.memory_space<hbm>> -> memref<125x80xi32, #tpu.memory_space<hbm>>
      %dma_wait3A_23 = arith.constant 0 : i32
      %dma_wait3A_24 = arith.constant 0 : i32
      %dma_wait3A_25 = tpu.memref_slice %arg3[%add3A, %dma_wait3A_23, %dma_wait3A_24] : memref<32x125x80xi32, #tpu.memory_space<hbm>> -> memref<1x125x80xi32, #tpu.memory_space<hbm>>
      %dma_wait3A_26 = tpu.memref_squeeze %dma_wait3A_25 : memref<1x125x80xi32, #tpu.memory_space<hbm>> -> memref<125x80xi32, #tpu.memory_space<hbm>>
      tpu.wait_dma2 semaphore(%run_scoped3A : memref<!tpu.dma_semaphore, #tpu.memory_space<semaphore_mem>>) src(%dma_wait3A_26 : memref<125x80xi32, #tpu.memory_space<hbm>>) dst(%arg7 : memref<125x80xi32, #tpu.memory_space<vmem>>)
      tpu.yield
    }) : () -> ()
    "tpu.region"() ({
      %run_scoped3A = tpu.sem_alloc : memref<!tpu.dma_semaphore, #tpu.memory_space<semaphore_mem>>
      %dma_start3A = arith.constant 0 : i32
      %dma_start3A_13 = arith.constant 0 : i32
      %dma_start3A_14 = tpu.memref_slice %arg4[%add3A, %dma_start3A, %dma_start3A_13] : memref<32x125x80xi32, #tpu.memory_space<hbm>> -> memref<1x125x80xi32, #tpu.memory_space<hbm>>
      %dma_start3A_15 = tpu.memref_squeeze %dma_start3A_14 : memref<1x125x80xi32, #tpu.memory_space<hbm>> -> memref<125x80xi32, #tpu.memory_space<hbm>>
      %dma_start3A_16 = arith.constant 0 : i32
      %dma_start3A_17 = arith.constant 0 : i32
      %dma_start3A_18 = tpu.memref_slice %arg4[%add3A, %dma_start3A_16, %dma_start3A_17] : memref<32x125x80xi32, #tpu.memory_space<hbm>> -> memref<1x125x80xi32, #tpu.memory_space<hbm>>
      %dma_start3A_19 = tpu.memref_squeeze %dma_start3A_18 : memref<1x125x80xi32, #tpu.memory_space<hbm>> -> memref<125x80xi32, #tpu.memory_space<hbm>>
      tpu.enqueue_dma source(%dma_start3A_19 : memref<125x80xi32, #tpu.memory_space<hbm>>) target(%arg8 : memref<125x80xi32, #tpu.memory_space<vmem>>) target_semaphore(%run_scoped3A : memref<!tpu.dma_semaphore, #tpu.memory_space<semaphore_mem>>)
      %dma_wait3A = arith.constant 0 : i32
      %dma_wait3A_20 = arith.constant 0 : i32
      %dma_wait3A_21 = tpu.memref_slice %arg4[%add3A, %dma_wait3A, %dma_wait3A_20] : memref<32x125x80xi32, #tpu.memory_space<hbm>> -> memref<1x125x80xi32, #tpu.memory_space<hbm>>
      %dma_wait3A_22 = tpu.memref_squeeze %dma_wait3A_21 : memref<1x125x80xi32, #tpu.memory_space<hbm>> -> memref<125x80xi32, #tpu.memory_space<hbm>>
      %dma_wait3A_23 = arith.constant 0 : i32
      %dma_wait3A_24 = arith.constant 0 : i32
      %dma_wait3A_25 = tpu.memref_slice %arg4[%add3A, %dma_wait3A_23, %dma_wait3A_24] : memref<32x125x80xi32, #tpu.memory_space<hbm>> -> memref<1x125x80xi32, #tpu.memory_space<hbm>>
      %dma_wait3A_26 = tpu.memref_squeeze %dma_wait3A_25 : memref<1x125x80xi32, #tpu.memory_space<hbm>> -> memref<125x80xi32, #tpu.memory_space<hbm>>
      tpu.wait_dma2 semaphore(%run_scoped3A : memref<!tpu.dma_semaphore, #tpu.memory_space<semaphore_mem>>) src(%dma_wait3A_26 : memref<125x80xi32, #tpu.memory_space<hbm>>) dst(%arg8 : memref<125x80xi32, #tpu.memory_space<vmem>>)
      tpu.yield
    }) : () -> ()
    %barrier3A = arith.constant 0 : index
    tpu.barrier barrier_id(%barrier3A)
    %scan3A = arith.constant 0 : i32
    %scan3A_3 = arith.constant 0 : i32
    %scan3A_4 = arith.constant 125 : i32
    %scan3A_5 = arith.addi %scan3A_3, %scan3A_4 : i32
    %scan3A_6 = arith.constant 1 : i32
    scf.for %scan3A_13 = %scan3A_3 to %scan3A_5 step %scan3A_6  : i32 {
      %dma_start3A = arith.constant 0 : i32
      %dma_start3A_14 = tpu.memref_slice %arg7[%scan3A_13, %dma_start3A] : memref<125x80xi32, #tpu.memory_space<vmem>> -> memref<1x80xi32, #tpu.memory_space<vmem>>
      %dma_start3A_15 = tpu.memref_squeeze %dma_start3A_14 : memref<1x80xi32, #tpu.memory_space<vmem>> -> memref<80xi32, #tpu.memory_space<vmem>>
      %dma_start3A_16 = arith.constant 0 : i32
      %dma_start3A_17 = arith.constant 0 : i32
      %dma_start3A_18 = tpu.memref_slice %arg2[%dma_start3A_16, %dma_start3A_17] : memref<10000x128xf32, #tpu.memory_space<hbm>> -> memref<10000x128xf32, #tpu.memory_space<hbm>>
      tpu.enqueue_indirect_dma source(%dma_start3A_18 : memref<10000x128xf32, #tpu.memory_space<hbm>>) target(%arg9 : memref<80x128xf32, #tpu.memory_space<vmem>>) offsets(%dma_start3A_15 : memref<80xi32, #tpu.memory_space<vmem>>) semaphore(%arg11 : memref<!tpu.dma_semaphore, #tpu.memory_space<semaphore_mem>>)
      %dma_wait3A = arith.constant 0 : i32
      %dma_wait3A_19 = tpu.memref_slice %arg7[%scan3A_13, %dma_wait3A] : memref<125x80xi32, #tpu.memory_space<vmem>> -> memref<1x80xi32, #tpu.memory_space<vmem>>
      %dma_wait3A_20 = tpu.memref_squeeze %dma_wait3A_19 : memref<1x80xi32, #tpu.memory_space<vmem>> -> memref<80xi32, #tpu.memory_space<vmem>>
      %dma_wait3A_21 = arith.constant 0 : i32
      %dma_wait3A_22 = arith.constant 0 : i32
      %dma_wait3A_23 = tpu.memref_slice %arg2[%dma_wait3A_21, %dma_wait3A_22] : memref<10000x128xf32, #tpu.memory_space<hbm>> -> memref<10000x128xf32, #tpu.memory_space<hbm>>
      tpu.wait_indirect_dma semaphore(%arg11 : memref<!tpu.dma_semaphore, #tpu.memory_space<semaphore_mem>>) src(%dma_wait3A_23 : memref<10000x128xf32, #tpu.memory_space<hbm>>) dst(%arg9 : memref<80x128xf32, #tpu.memory_space<vmem>>)
      "tpu.region"() ({
        %run_scoped3A = tpu.sem_alloc : memref<!tpu.dma_semaphore, #tpu.memory_space<semaphore_mem>>
        %dma_start3A_24 = arith.constant 0 : i32
        %dma_start3A_25 = tpu.memref_slice %arg8[%scan3A_13, %dma_start3A_24] : memref<125x80xi32, #tpu.memory_space<vmem>> -> memref<1x80xi32, #tpu.memory_space<vmem>>
        %dma_start3A_26 = tpu.memref_squeeze %dma_start3A_25 : memref<1x80xi32, #tpu.memory_space<vmem>> -> memref<80xi32, #tpu.memory_space<vmem>>
        %dma_start3A_27 = arith.constant 0 : i32
        %dma_start3A_28 = arith.constant 0 : i32
        %dma_start3A_29 = tpu.memref_slice %arg10[%dma_start3A_27, %dma_start3A_28] : memref<10112x128xf32, #tpu.memory_space<vmem_shared>> -> memref<10112x128xf32, #tpu.memory_space<vmem_shared>>
        tpu.enqueue_indirect_dma source(%arg9 : memref<80x128xf32, #tpu.memory_space<vmem>>) target(%dma_start3A_29 : memref<10112x128xf32, #tpu.memory_space<vmem_shared>>) offsets(%dma_start3A_26 : memref<80xi32, #tpu.memory_space<vmem>>) semaphore(%run_scoped3A : memref<!tpu.dma_semaphore, #tpu.memory_space<semaphore_mem>>) {add = true}
        %dma_wait3A_30 = arith.constant 0 : i32
        %dma_wait3A_31 = tpu.memref_slice %arg8[%scan3A_13, %dma_wait3A_30] : memref<125x80xi32, #tpu.memory_space<vmem>> -> memref<1x80xi32, #tpu.memory_space<vmem>>
        %dma_wait3A_32 = tpu.memref_squeeze %dma_wait3A_31 : memref<1x80xi32, #tpu.memory_space<vmem>> -> memref<80xi32, #tpu.memory_space<vmem>>
        %dma_wait3A_33 = arith.constant 0 : i32
        %dma_wait3A_34 = arith.constant 0 : i32
        %dma_wait3A_35 = tpu.memref_slice %arg10[%dma_wait3A_33, %dma_wait3A_34] : memref<10112x128xf32, #tpu.memory_space<vmem_shared>> -> memref<10112x128xf32, #tpu.memory_space<vmem_shared>>
        tpu.wait_indirect_dma semaphore(%run_scoped3A : memref<!tpu.dma_semaphore, #tpu.memory_space<semaphore_mem>>) src(%arg9 : memref<80x128xf32, #tpu.memory_space<vmem>>) dst(%dma_wait3A_35 : memref<10112x128xf32, #tpu.memory_space<vmem_shared>>)
        tpu.yield
      }) : () -> ()
    }
    %scan3A_7 = arith.constant 125 : i32
    %barrier3A_8 = arith.constant 0 : index
    tpu.barrier barrier_id(%barrier3A_8)
    %mul3A_9 = arith.constant 632 : i32
    %mul3A_10 = arith.muli %arg1, %mul3A_9 : i32
    %mul3A_11 = arith.constant 632 : i32
    %mul3A_12 = arith.muli %arg1, %mul3A_11 : i32
    "tpu.region"() ({
      %run_scoped3A = tpu.sem_alloc : memref<!tpu.dma_semaphore, #tpu.memory_space<semaphore_mem>>
      %dma_start3A = arith.constant 0 : i32
      %dma_start3A_13 = tpu.memref_slice %arg6[%arg0, %mul3A_12, %dma_start3A] : memref<2x10112x128xf32, #tpu.memory_space<hbm>> -> memref<1x632x128xf32, #tpu.memory_space<hbm>>
      %dma_start3A_14 = tpu.memref_squeeze %dma_start3A_13 : memref<1x632x128xf32, #tpu.memory_space<hbm>> -> memref<632x128xf32, #tpu.memory_space<hbm>>
      %dma_start3A_15 = arith.constant 0 : i32
      %dma_start3A_16 = tpu.memref_slice %arg10[%mul3A_10, %dma_start3A_15] : memref<10112x128xf32, #tpu.memory_space<vmem_shared>> -> memref<632x128xf32, #tpu.memory_space<vmem_shared>>
      tpu.enqueue_dma source(%dma_start3A_16 : memref<632x128xf32, #tpu.memory_space<vmem_shared>>) target(%dma_start3A_14 : memref<632x128xf32, #tpu.memory_space<hbm>>) target_semaphore(%run_scoped3A : memref<!tpu.dma_semaphore, #tpu.memory_space<semaphore_mem>>)
      %dma_wait3A = arith.constant 0 : i32
      %dma_wait3A_17 = tpu.memref_slice %arg6[%arg0, %mul3A_12, %dma_wait3A] : memref<2x10112x128xf32, #tpu.memory_space<hbm>> -> memref<1x632x128xf32, #tpu.memory_space<hbm>>
      %dma_wait3A_18 = tpu.memref_squeeze %dma_wait3A_17 : memref<1x632x128xf32, #tpu.memory_space<hbm>> -> memref<632x128xf32, #tpu.memory_space<hbm>>
      %dma_wait3A_19 = arith.constant 0 : i32
      %dma_wait3A_20 = tpu.memref_slice %arg10[%mul3A_10, %dma_wait3A_19] : memref<10112x128xf32, #tpu.memory_space<vmem_shared>> -> memref<632x128xf32, #tpu.memory_space<vmem_shared>>
      tpu.wait_dma2 semaphore(%run_scoped3A : memref<!tpu.dma_semaphore, #tpu.memory_space<semaphore_mem>>) src(%dma_wait3A_20 : memref<632x128xf32, #tpu.memory_space<vmem_shared>>) dst(%dma_wait3A_18 : memref<632x128xf32, #tpu.memory_space<hbm>>)
      tpu.yield
    }) : () -> ()
    return
  }
}

module attributes {stable_mosaic.version = 14 : i64} {
  func.func @_k1_body(%arg0: i32, %arg1: memref<1000x128xf32, #tpu.memory_space<vmem>>, %arg2: memref<128x128xf32, #tpu.memory_space<vmem>>, %arg3: memref<2x1000x1xf32, #tpu.memory_space<vmem>>, %arg4: memref<1000x1xf32, #tpu.memory_space<vmem>>, %arg5: memref<1000x128xf32, #tpu.memory_space<vmem>>) attributes {dimension_semantics = [#tpu.dimension_semantics<arbitrary>], iteration_bounds = array<i64: 10>, scalar_prefetch = 0 : i64, scratch_operands = 0 : i64, tpu.core_type = #tpu.core_type<tc>, window_params = [{transform_indices = @transform_0, window_bounds = array<i64: 1000, 128>}, {pipeline_mode = #tpu.pipeline_mode<synchronous>, transform_indices = @transform_1, window_bounds = array<i64: 128, 128>}, {transform_indices = @transform_2, window_bounds = array<i64: 2, 1000, 1>}, {transform_indices = @transform_3, window_bounds = array<i64: 1000, 1>}, {transform_indices = @transform_4, window_bounds = array<i64: 1000, 128>}]} {
    %get3A = arith.constant 0 : index
    %get3A_0 = arith.constant 0 : index
    %get3A_1 = vector.load %arg1[%get3A, %get3A_0] : memref<1000x128xf32, #tpu.memory_space<vmem>>, vector<1000x128xf32>
    %get3A_2 = arith.constant 0 : index
    %get3A_3 = arith.constant 0 : index
    %get3A_4 = vector.load %arg2[%get3A_2, %get3A_3] : memref<128x128xf32, #tpu.memory_space<vmem>>, vector<128x128xf32>
    %dot_general3A = arith.constant dense<0.000000e+00> : vector<1000x128xf32>
    %dot_general3A_5 = tpu.matmul %get3A_1, %get3A_4, %dot_general3A {dimension_numbers = #tpu.dot_dimension_numbers<[1], [0], [0], [1], [0, 0, 1, 1], [], []>, transpose_lhs_hint = false} : vector<1000x128xf32>, vector<128x128xf32>, vector<1000x128xf32> -> vector<1000x128xf32>
    %get3A_6 = arith.constant 0 : index
    %get3A_7 = arith.constant 0 : index
    %get3A_8 = arith.constant 0 : index
    %get3A_9 = vector.load %arg3[%get3A_6, %get3A_7, %get3A_8] : memref<2x1000x1xf32, #tpu.memory_space<vmem>>, vector<1x1000x1xf32>
    %get3A_10 = vector.shape_cast %get3A_9 : vector<1x1000x1xf32> to vector<1000x1xf32>
    %get3A_11 = arith.constant 1 : index
    %get3A_12 = arith.constant 0 : index
    %get3A_13 = arith.constant 0 : index
    %get3A_14 = vector.load %arg3[%get3A_11, %get3A_12, %get3A_13] : memref<2x1000x1xf32, #tpu.memory_space<vmem>>, vector<1x1000x1xf32>
    %get3A_15 = vector.shape_cast %get3A_14 : vector<1x1000x1xf32> to vector<1000x1xf32>
    %add3A = arith.addf %get3A_10, %get3A_15 : vector<1000x1xf32>
    %add3A_16 = arith.constant 1.000000e+00 : f32
    %add3A_17 = vector.broadcast %add3A_16 : f32 to vector<1000x1xf32>
    %add3A_18 = arith.addf %add3A, %add3A_17 : vector<1000x1xf32>
    %rsqrt3A = math.rsqrt %add3A_18 : vector<1000x1xf32>
    %swap3A = arith.constant 0 : index
    %swap3A_19 = arith.constant 0 : index
    %swap3A_20 = vector.load %arg4[%swap3A, %swap3A_19] : memref<1000x1xf32, #tpu.memory_space<vmem>>, vector<1000x1xf32>
    tpu.vector_store %arg4[%swap3A, %swap3A_19], %rsqrt3A {strides = array<i32>} : memref<1000x1xf32, #tpu.memory_space<vmem>>, vector<1000x1xf32>,
    %mul3A = vector.broadcast %rsqrt3A : vector<1000x1xf32> to vector<1000x128xf32>
    %mul3A_21 = arith.mulf %dot_general3A_5, %mul3A : vector<1000x128xf32>
    %swap3A_22 = arith.constant 0 : index
    %swap3A_23 = arith.constant 0 : index
    %swap3A_24 = vector.load %arg5[%swap3A_22, %swap3A_23] : memref<1000x128xf32, #tpu.memory_space<vmem>>, vector<1000x128xf32>
    tpu.vector_store %arg5[%swap3A_22, %swap3A_23], %mul3A_21 {strides = array<i32>} : memref<1000x128xf32, #tpu.memory_space<vmem>>, vector<1000x128xf32>,
    return
  }
  func.func @transform_0(%arg0: i32) -> (i32, i32) {
    %c0_i32 = arith.constant 0 : i32
    %c0_i32_0 = arith.constant 0 : i32
    return %arg0, %c0_i32 : i32, i32
  }
  func.func @transform_1(%arg0: i32) -> (i32, i32) {
    %c0_i32 = arith.constant 0 : i32
    %c0_i32_0 = arith.constant 0 : i32
    %c0_i32_1 = arith.constant 0 : i32
    return %c0_i32, %c0_i32_0 : i32, i32
  }
  func.func @transform_2(%arg0: i32) -> (i32, i32, i32) {
    %c0_i32 = arith.constant 0 : i32
    %c0_i32_0 = arith.constant 0 : i32
    %c0_i32_1 = arith.constant 0 : i32
    return %c0_i32, %arg0, %c0_i32_0 : i32, i32, i32
  }
  func.func @transform_3(%arg0: i32) -> (i32, i32) {
    %c0_i32 = arith.constant 0 : i32
    %c0_i32_0 = arith.constant 0 : i32
    return %arg0, %c0_i32 : i32, i32
  }
  func.func @transform_4(%arg0: i32) -> (i32, i32) {
    %c0_i32 = arith.constant 0 : i32
    %c0_i32_0 = arith.constant 0 : i32
    return %arg0, %c0_i32 : i32, i32
  }
}

module attributes {stable_mosaic.version = 14 : i64} {
  func.func @_k2_body(%arg0: i32, %arg1: memref<1x1000x128xf32, #tpu.memory_space<vmem>>, %arg2: memref<1x1000x128xf32, #tpu.memory_space<vmem>>, %arg3: memref<1000x128xf32, #tpu.memory_space<vmem>>, %arg4: memref<1000x1xf32, #tpu.memory_space<vmem>>, %arg5: memref<1x128xf32, #tpu.memory_space<vmem>>, %arg6: memref<128x128xf32, #tpu.memory_space<vmem>>, %arg7: memref<1000x128xf32, #tpu.memory_space<vmem>>) attributes {dimension_semantics = [#tpu.dimension_semantics<arbitrary>], iteration_bounds = array<i64: 10>, scalar_prefetch = 0 : i64, scratch_operands = 0 : i64, tpu.core_type = #tpu.core_type<tc>, window_params = [{transform_indices = @transform_0, window_bounds = array<i64: 1, 1000, 128>}, {transform_indices = @transform_1, window_bounds = array<i64: 1, 1000, 128>}, {transform_indices = @transform_2, window_bounds = array<i64: 1000, 128>}, {transform_indices = @transform_3, window_bounds = array<i64: 1000, 1>}, {pipeline_mode = #tpu.pipeline_mode<synchronous>, transform_indices = @transform_4, window_bounds = array<i64: 1, 128>}, {pipeline_mode = #tpu.pipeline_mode<synchronous>, transform_indices = @transform_5, window_bounds = array<i64: 128, 128>}, {transform_indices = @transform_6, window_bounds = array<i64: 1000, 128>}]} {
    %get3A = arith.constant 0 : index
    %get3A_0 = arith.constant 0 : index
    %get3A_1 = arith.constant 0 : index
    %get3A_2 = vector.load %arg1[%get3A, %get3A_0, %get3A_1] : memref<1x1000x128xf32, #tpu.memory_space<vmem>>, vector<1x1000x128xf32>
    %get3A_3 = vector.shape_cast %get3A_2 : vector<1x1000x128xf32> to vector<1000x128xf32>
    %get3A_4 = arith.constant 0 : index
    %get3A_5 = arith.constant 0 : index
    %get3A_6 = arith.constant 0 : index
    %get3A_7 = vector.load %arg2[%get3A_4, %get3A_5, %get3A_6] : memref<1x1000x128xf32, #tpu.memory_space<vmem>>, vector<1x1000x128xf32>
    %get3A_8 = vector.shape_cast %get3A_7 : vector<1x1000x128xf32> to vector<1000x128xf32>
    %add3A = arith.addf %get3A_3, %get3A_8 : vector<1000x128xf32>
    %get3A_9 = arith.constant 0 : index
    %get3A_10 = arith.constant 0 : index
    %get3A_11 = vector.load %arg3[%get3A_9, %get3A_10] : memref<1000x128xf32, #tpu.memory_space<vmem>>, vector<1000x128xf32>
    %add3A_12 = arith.addf %add3A, %get3A_11 : vector<1000x128xf32>
    %get3A_13 = arith.constant 0 : index
    %get3A_14 = arith.constant 0 : index
    %get3A_15 = vector.load %arg4[%get3A_13, %get3A_14] : memref<1000x1xf32, #tpu.memory_space<vmem>>, vector<1000x1xf32>
    %mul3A = vector.broadcast %get3A_15 : vector<1000x1xf32> to vector<1000x128xf32>
    %mul3A_16 = arith.mulf %add3A_12, %mul3A : vector<1000x128xf32>
    %get3A_17 = arith.constant 0 : index
    %get3A_18 = arith.constant 0 : index
    %get3A_19 = vector.load %arg5[%get3A_17, %get3A_18] : memref<1x128xf32, #tpu.memory_space<vmem>>, vector<1x128xf32>
    %add3A_20 = vector.broadcast %get3A_19 : vector<1x128xf32> to vector<1000x128xf32>
    %add3A_21 = arith.addf %mul3A_16, %add3A_20 : vector<1000x128xf32>
    %max3A = arith.constant 0.000000e+00 : f32
    %max3A_22 = vector.broadcast %max3A : f32 to vector<1000x128xf32>
    %max3A_23 = arith.maximumf %add3A_21, %max3A_22 : vector<1000x128xf32>
    %get3A_24 = arith.constant 0 : index
    %get3A_25 = arith.constant 0 : index
    %get3A_26 = vector.load %arg6[%get3A_24, %get3A_25] : memref<128x128xf32, #tpu.memory_space<vmem>>, vector<128x128xf32>
    %dot_general3A = arith.constant dense<0.000000e+00> : vector<1000x128xf32>
    %dot_general3A_27 = tpu.matmul %max3A_23, %get3A_26, %dot_general3A {dimension_numbers = #tpu.dot_dimension_numbers<[1], [0], [0], [1], [0, 0, 1, 1], [], []>, transpose_lhs_hint = false} : vector<1000x128xf32>, vector<128x128xf32>, vector<1000x128xf32> -> vector<1000x128xf32>
    %get3A_28 = arith.constant 0 : index
    %get3A_29 = arith.constant 0 : index
    %get3A_30 = vector.load %arg4[%get3A_28, %get3A_29] : memref<1000x1xf32, #tpu.memory_space<vmem>>, vector<1000x1xf32>
    %mul3A_31 = vector.broadcast %get3A_30 : vector<1000x1xf32> to vector<1000x128xf32>
    %mul3A_32 = arith.mulf %dot_general3A_27, %mul3A_31 : vector<1000x128xf32>
    %swap3A = arith.constant 0 : index
    %swap3A_33 = arith.constant 0 : index
    %swap3A_34 = vector.load %arg7[%swap3A, %swap3A_33] : memref<1000x128xf32, #tpu.memory_space<vmem>>, vector<1000x128xf32>
    tpu.vector_store %arg7[%swap3A, %swap3A_33], %mul3A_32 {strides = array<i32>} : memref<1000x128xf32, #tpu.memory_space<vmem>>, vector<1000x128xf32>,
    return
  }
  func.func @transform_0(%arg0: i32) -> (i32, i32, i32) {
    %c0_i32 = arith.constant 0 : i32
    %c0_i32_0 = arith.constant 0 : i32
    %c0_i32_1 = arith.constant 0 : i32
    return %c0_i32, %arg0, %c0_i32_0 : i32, i32, i32
  }
  func.func @transform_1(%arg0: i32) -> (i32, i32, i32) {
    %c1_i32 = arith.constant 1 : i32
    %c0_i32 = arith.constant 0 : i32
    %c0_i32_0 = arith.constant 0 : i32
    return %c1_i32, %arg0, %c0_i32 : i32, i32, i32
  }
  func.func @transform_2(%arg0: i32) -> (i32, i32) {
    %c0_i32 = arith.constant 0 : i32
    %c0_i32_0 = arith.constant 0 : i32
    return %arg0, %c0_i32 : i32, i32
  }
  func.func @transform_3(%arg0: i32) -> (i32, i32) {
    %c0_i32 = arith.constant 0 : i32
    %c0_i32_0 = arith.constant 0 : i32
    return %arg0, %c0_i32 : i32, i32
  }
  func.func @transform_4(%arg0: i32) -> (i32, i32) {
    %c0_i32 = arith.constant 0 : i32
    %c0_i32_0 = arith.constant 0 : i32
    %c0_i32_1 = arith.constant 0 : i32
    return %c0_i32, %c0_i32_0 : i32, i32
  }
  func.func @transform_5(%arg0: i32) -> (i32, i32) {
    %c0_i32 = arith.constant 0 : i32
    %c0_i32_0 = arith.constant 0 : i32
    %c0_i32_1 = arith.constant 0 : i32
    return %c0_i32, %c0_i32_0 : i32, i32
  }
  func.func @transform_6(%arg0: i32) -> (i32, i32) {
    %c0_i32 = arith.constant 0 : i32
    %c0_i32_0 = arith.constant 0 : i32
    return %arg0, %c0_i32 : i32, i32
  }
}

module attributes {stable_mosaic.version = 14 : i64} {
  func.func @_k4_body(%arg0: memref<2x10112x128xf32, #tpu.memory_space<vmem>>, %arg1: memref<10000x128xf32, #tpu.memory_space<vmem>>, %arg2: memref<10000x1xf32, #tpu.memory_space<vmem>>, %arg3: memref<1x128xf32, #tpu.memory_space<vmem>>, %arg4: memref<10000xi32, #tpu.memory_space<vmem>>, %arg5: memref<128x128xf32, #tpu.memory_space<vmem>>, %arg6: memref<1x128xf32, #tpu.memory_space<vmem>>, %arg7: memref<128x128xf32, #tpu.memory_space<vmem>>, %arg8: memref<1x128xf32, #tpu.memory_space<vmem>>, %arg9: memref<64x128xf32, #tpu.memory_space<vmem>>) attributes {dimension_semantics = [], scalar_prefetch = 0 : i64, scratch_operands = 0 : i64, tpu.core_type = #tpu.core_type<tc>} {
    %get3A = arith.constant 0 : index
    %get3A_0 = arith.constant 0 : index
    %get3A_1 = arith.constant 0 : index
    %get3A_2 = vector.load %arg0[%get3A, %get3A_0, %get3A_1] : memref<2x10112x128xf32, #tpu.memory_space<vmem>>, vector<1x10000x128xf32>
    %get3A_3 = vector.shape_cast %get3A_2 : vector<1x10000x128xf32> to vector<10000x128xf32>
    %get3A_4 = arith.constant 1 : index
    %get3A_5 = arith.constant 0 : index
    %get3A_6 = arith.constant 0 : index
    %get3A_7 = vector.load %arg0[%get3A_4, %get3A_5, %get3A_6] : memref<2x10112x128xf32, #tpu.memory_space<vmem>>, vector<1x10000x128xf32>
    %get3A_8 = vector.shape_cast %get3A_7 : vector<1x10000x128xf32> to vector<10000x128xf32>
    %add3A = arith.addf %get3A_3, %get3A_8 : vector<10000x128xf32>
    %get3A_9 = arith.constant 0 : index
    %get3A_10 = arith.constant 0 : index
    %get3A_11 = vector.load %arg1[%get3A_9, %get3A_10] : memref<10000x128xf32, #tpu.memory_space<vmem>>, vector<10000x128xf32>
    %add3A_12 = arith.addf %add3A, %get3A_11 : vector<10000x128xf32>
    %get3A_13 = arith.constant 0 : index
    %get3A_14 = arith.constant 0 : index
    %get3A_15 = vector.load %arg2[%get3A_13, %get3A_14] : memref<10000x1xf32, #tpu.memory_space<vmem>>, vector<10000x1xf32>
    %mul3A = vector.broadcast %get3A_15 : vector<10000x1xf32> to vector<10000x128xf32>
    %mul3A_16 = arith.mulf %add3A_12, %mul3A : vector<10000x128xf32>
    %get3A_17 = arith.constant 0 : index
    %get3A_18 = arith.constant 0 : index
    %get3A_19 = vector.load %arg3[%get3A_17, %get3A_18] : memref<1x128xf32, #tpu.memory_space<vmem>>, vector<1x128xf32>
    %add3A_20 = vector.broadcast %get3A_19 : vector<1x128xf32> to vector<10000x128xf32>
    %add3A_21 = arith.addf %mul3A_16, %add3A_20 : vector<10000x128xf32>
    %get3A_22 = arith.constant 0 : index
    %get3A_23 = vector.load %arg4[%get3A_22] : memref<10000xi32, #tpu.memory_space<vmem>>, vector<10000xi32>
    %iota3A = tpu.iota {dimensions = array<i32: 0>} : vector<64x10000xi32>
    %broadcast_in_dim3A = vector.shape_cast %get3A_23 : vector<10000xi32> to vector<1x10000xi32>
    %eq3A = vector.broadcast %broadcast_in_dim3A : vector<1x10000xi32> to vector<64x10000xi32>
    %eq3A_24 = arith.cmpi eq, %eq3A, %iota3A : vector<64x10000xi32>
    %convert_element_type3A = arith.extui %eq3A_24 : vector<64x10000xi1> to vector<64x10000xi32>
    %convert_element_type3A_25 = arith.sitofp %convert_element_type3A : vector<64x10000xi32> to vector<64x10000xf32>
    %dot_general3A = arith.constant dense<0.000000e+00> : vector<64x128xf32>
    %dot_general3A_26 = tpu.matmul %convert_element_type3A_25, %add3A_21, %dot_general3A {dimension_numbers = #tpu.dot_dimension_numbers<[1], [0], [0], [1], [0, 0, 1, 1], [], []>, transpose_lhs_hint = false} : vector<64x10000xf32>, vector<10000x128xf32>, vector<64x128xf32> -> vector<64x128xf32>
    %reduce_sum3A = arith.constant dense<0.000000e+00> : vector<64xf32>
    %reduce_sum3A_27 = vector.multi_reduction <add>, %convert_element_type3A_25, %reduce_sum3A [1] : vector<64x10000xf32> to vector<64xf32>
    %broadcast_in_dim3A_28 = vector.shape_cast %reduce_sum3A_27 : vector<64xf32> to vector<64x1xf32>
    %max3A = arith.constant 1.000000e+00 : f32
    %max3A_29 = vector.broadcast %max3A : f32 to vector<64x1xf32>
    %max3A_30 = arith.maximumf %broadcast_in_dim3A_28, %max3A_29 : vector<64x1xf32>
    %div3A = vector.broadcast %max3A_30 : vector<64x1xf32> to vector<64x128xf32>
    %div3A_31 = arith.divf %dot_general3A_26, %div3A : vector<64x128xf32>
    %get3A_32 = arith.constant 0 : index
    %get3A_33 = arith.constant 0 : index
    %get3A_34 = vector.load %arg5[%get3A_32, %get3A_33] : memref<128x128xf32, #tpu.memory_space<vmem>>, vector<128x128xf32>
    %dot_general3A_35 = arith.constant dense<0.000000e+00> : vector<64x128xf32>
    %dot_general3A_36 = tpu.matmul %div3A_31, %get3A_34, %dot_general3A_35 {dimension_numbers = #tpu.dot_dimension_numbers<[1], [0], [0], [1], [0, 0, 1, 1], [], []>, transpose_lhs_hint = false} : vector<64x128xf32>, vector<128x128xf32>, vector<64x128xf32> -> vector<64x128xf32>
    %get3A_37 = arith.constant 0 : index
    %get3A_38 = arith.constant 0 : index
    %get3A_39 = vector.load %arg6[%get3A_37, %get3A_38] : memref<1x128xf32, #tpu.memory_space<vmem>>, vector<1x128xf32>
    %add3A_40 = vector.broadcast %get3A_39 : vector<1x128xf32> to vector<64x128xf32>
    %add3A_41 = arith.addf %dot_general3A_36, %add3A_40 : vector<64x128xf32>
    %max3A_42 = arith.constant 0.000000e+00 : f32
    %max3A_43 = vector.broadcast %max3A_42 : f32 to vector<64x128xf32>
    %max3A_44 = arith.maximumf %add3A_41, %max3A_43 : vector<64x128xf32>
    %get3A_45 = arith.constant 0 : index
    %get3A_46 = arith.constant 0 : index
    %get3A_47 = vector.load %arg7[%get3A_45, %get3A_46] : memref<128x128xf32, #tpu.memory_space<vmem>>, vector<128x128xf32>
    %dot_general3A_48 = arith.constant dense<0.000000e+00> : vector<64x128xf32>
    %dot_general3A_49 = tpu.matmul %max3A_44, %get3A_47, %dot_general3A_48 {dimension_numbers = #tpu.dot_dimension_numbers<[1], [0], [0], [1], [0, 0, 1, 1], [], []>, transpose_lhs_hint = false} : vector<64x128xf32>, vector<128x128xf32>, vector<64x128xf32> -> vector<64x128xf32>
    %get3A_50 = arith.constant 0 : index
    %get3A_51 = arith.constant 0 : index
    %get3A_52 = vector.load %arg8[%get3A_50, %get3A_51] : memref<1x128xf32, #tpu.memory_space<vmem>>, vector<1x128xf32>
    %add3A_53 = vector.broadcast %get3A_52 : vector<1x128xf32> to vector<64x128xf32>
    %add3A_54 = arith.addf %dot_general3A_49, %add3A_53 : vector<64x128xf32>
    %swap3A = arith.constant 0 : index
    %swap3A_55 = arith.constant 0 : index
    %swap3A_56 = vector.load %arg9[%swap3A, %swap3A_55] : memref<64x128xf32, #tpu.memory_space<vmem>>, vector<64x128xf32>
    tpu.vector_store %arg9[%swap3A, %swap3A_55], %add3A_54 {strides = array<i32>} : memref<64x128xf32, #tpu.memory_space<vmem>>, vector<64x128xf32>,
    return
  }
}

</mosaic_0001>

<sc_bundles>
// kernel: kernel.10.cloned.1.call-start
scs
__scs_entry_jumppad:
0x0: {  	(pc) =	sbr.rel $0x88, $3  }
0x1: {  	(tag) =	ssettag $0x0;
	lr =	simm.s32 $0x1  }
0x2: {  	[smem:$0x3F94] =	sst lr;
	_ =	strace $0xD0000000  }
0x3: {  	_ = 	snop  }
0x4: {  	_ = 	snop  }
0x5: {  	_ = 	snop  }
0x6: {  	_ = 	snop  }
0x7: {  	_ = 	snop  }
__scs_overlays_trampoline_lowered:
0x8: {  	[smem:$0x3FA3] =	sst s0  }
0x9: {  	[smem:$0x3FA4] =	sst s1  }
0xa: {  	[smem:$0x3FA5] =	sst s2  }
0xb: {  	[smem:$0x3FA6] =	sst s3  }
0xc: {  	[smem:$0x3FA7] =	sst s4  }
0xd: {  	[smem:$0x3FA8] =	sst s5  }
0xe: {  	[smem:$0x3FA9] =	sst s6  }
0xf: {  	[smem:$0x3FAA] =	sst s7  }
0x10: {  	[smem:$0x3FAB] =	sst s8  }
0x11: {  	[smem:$0x3FAC] =	sst s9;
	s0 =	simm.s32 @!p0 $0x0  }
0x12: {  	s1 =	sld [smem:$0x3F92];
	s0 =	simm.s32 @p0 $0x1  }
0x13: {  	[smem:$0x3FAD] =	sst s0;
	s0 =	simm.s32 @!p1 $0x0  }
0x14: {  	s2 =	sld [smem:$0x3F91];
	s0 =	simm.s32 @p1 $0x1  }
0x15: {  	[smem:$0x3FAE] =	sst s0;
	s0 =	simm.s32 @!p2 $0x0  }
0x16: {  	s3 =	sld [smem:$0x3FDB];
	s0 =	simm.s32 @p2 $0x1  }
0x17: {  	s4 =	simm.s32 $0x1BF5;
	[smem:$0x3FB0] =	sst s0  }
0x18: {  	s0 =	sld [smem:$0x3F93];
	_ =	swait.ge [sflag:s4], $0x0  }
0x19: {  	s7 =	sld [smem:$0x3F94]  }
0x1a: {  	s8 =	sadd.s32 $0xFFFFE003, lr  }
0x1b: {  	s9 =	sadd.s32 $0xFFFFFEF7, lr;
	s5 =	simm.s32 $0xFFFFFFFF;
	p2 =	slt.u32 s8, $0xFFFFF086  }
0x1c: {  	p1 =	slt.u32 s9, $0xF7A;
	s5 =	simm.s32 @!p2 $0x0  }
0x1d: {  	s5 =	simm.s32 @p1 $0x1;
	p0 =	seq.s32 s7, s2  }
0x1e: {  	s7 =	smul.u32 @!p0 $0xF7A, s2;
	p2 =	seq.s32 @!p0 s5, $0x0  }
0x1f: {  	s9 =	smul.u32 $0xF7A, s1;
	s8 =	simm.s32 @!p0 $0x1BF5;
	p2 =	por !p2, p0  }
0x20: {  	[sflag:s8] =	ssyncset.s32 @!p0 $0xFFFFF086;
	s6 =	sadd.s32 @!p0 s3, s7;
	s7 =	simm.s32 @!p0 $0x108  }
0x21: {  	s3 =	sadd.s32 s3, s9;
	s6 =	sadd.s32 @!p0 $0x88, s6;
	s7 =	simm.s32 @p2 $0x1082  }
0x22: {  	[simem:s7], [sflag:s8] =	dma.local @!p0 [hbm:s6], $0xF7A  }
0x23: {  	s9 =	sor.u32 $0xD0000000, s2;
	s6 =	simm.s32 $0x108;
	_ =	swait.ge @!p0 [sflag:s8], $0x0  }
0x24: {  	s3 =	sadd.s32 $0x88, s3;
	s6 =	simm.s32 @!p1 $0x1082;
	[sflag:s4] =	ssyncset.s32 $0xFFFFF086  }
0x25: {  	[simem:s6], [sflag:s4] =	dma.local [hbm:s3], $0xF7A  }
0x26: {  	[smem:$0x3F94] =	sst s1;
	(tag) =	ssettag s2;
	_ =	strace s9  }
0x27: {  	s1 =	sld [smem:$0x3FA4]  }
0x28: {  	s2 =	sld [smem:$0x3FA5]  }
0x29: {  	s4 =	sld [smem:$0x3FA7]  }
0x2a: {  	p0 =	seq.s32 s5, $0x0;
	s5 =	sld [smem:$0x3FA8]  }
0x2b: {  	s6 =	sld [smem:$0x3FA9]  }
0x2c: {  	s7 =	sld [smem:$0x3FAA]  }
0x2d: {  	s3 =	simm.s32 $0x108;
	s8 =	sld [smem:$0x3FAB]  }
0x2e: {  	s3 =	simm.s32 @!p0 $0x1082;
	s9 =	sld [smem:$0x3FAC]  }
0x2f: {  	lr =	sadd.s32 s0, s3;
	s0 =	sld [smem:$0x3FA3]  }
0x30: {  	s3 =	sld [smem:$0x3FA6]  }
0x31: {  	[smem:$0x3FAF] =	sst s10  }
0x32: {  	s10 =	sld [smem:$0x3FAD];
	_ =	sdelay $0x3  }
0x33: {  	p0 =	seq.s32 s10, $0x1;
	s10 =	sld [smem:$0x3FAF];
	_ =	sdelay $0x3  }
0x34: {  	[smem:$0x3FAF] =	sst s10  }
0x35: {  	s10 =	sld [smem:$0x3FAE];
	_ =	sdelay $0x3  }
0x36: {  	p1 =	seq.s32 s10, $0x1;
	s10 =	sld [smem:$0x3FAF];
	_ =	sdelay $0x3  }
0x37: {  	[smem:$0x3FAF] =	sst s10  }
0x38: {  	s10 =	sld [smem:$0x3FB0]  }
0x39: {  	_ = 	snop;
	(pc) =	sbr.ind lr, $3  }
0x3a: {  	_ = 	snop  }
0x3b: {  	_ = 	snop  }
0x3c: {  	p2 =	seq.s32 s10, $0x1;
	s10 =	sld [smem:$0x3FAF]  }
0x3d: {  	_ =	shalt  }
0x3e: {  	_ =	shalt  }
0x3f: {  	_ =	shalt  }
0x40: {  	_ =	shalt  }
0x41: {  	_ =	shalt  }
0x42: {  	_ =	shalt  }
0x43: {  	_ =	shalt  }
0x44: {  	_ =	shalt  }
0x45: {  	_ =	shalt  }
0x46: {  	_ =	shalt  }
0x47: {  	_ =	shalt  }
0x48: {  	_ =	shalt  }
0x49: {  	_ =	shalt  }
0x4a: {  	_ =	shalt  }
0x4b: {  	_ =	shalt  }
0x4c: {  	_ =	shalt  }
0x4d: {  	_ =	shalt  }
0x4e: {  	_ =	shalt  }
0x4f: {  	_ =	shalt  }
0x50: {  	_ =	shalt  }
0x51: {  	_ =	shalt  }
0x52: {  	_ =	shalt  }
0x53: {  	_ =	shalt  }
0x54: {  	_ =	shalt  }
0x55: {  	_ =	shalt  }
0x56: {  	_ =	shalt  }
0x57: {  	_ =	shalt  }
0x58: {  	_ =	shalt  }
0x59: {  	_ =	shalt  }
0x5a: {  	_ =	shalt  }
0x5b: {  	_ =	shalt  }
0x5c: {  	_ =	shalt  }
0x5d: {  	_ =	shalt  }
0x5e: {  	_ =	shalt  }
0x5f: {  	_ =	shalt  }
0x60: {  	_ =	shalt  }
0x61: {  	_ =	shalt  }
0x62: {  	_ =	shalt  }
0x63: {  	_ =	shalt  }
0x64: {  	_ =	shalt  }
0x65: {  	_ =	shalt  }
0x66: {  	_ =	shalt  }
0x67: {  	_ =	shalt  }
0x68: {  	_ =	shalt  }
0x69: {  	_ =	shalt  }
0x6a: {  	_ =	shalt  }
0x6b: {  	_ =	shalt  }
0x6c: {  	_ =	shalt  }
0x6d: {  	_ =	shalt  }
0x6e: {  	_ =	shalt  }
0x6f: {  	_ =	shalt  }
0x70: {  	_ =	shalt  }
0x71: {  	_ =	shalt  }
0x72: {  	_ =	shalt  }
0x73: {  	_ =	shalt  }
0x74: {  	_ =	shalt  }
0x75: {  	_ =	shalt  }
0x76: {  	_ =	shalt  }
0x77: {  	_ =	shalt  }
0x78: {  	_ =	shalt  }
0x79: {  	_ =	shalt  }
0x7a: {  	_ =	shalt  }
0x7b: {  	_ =	shalt  }
0x7c: {  	_ =	shalt  }
0x7d: {  	_ =	shalt  }
0x7e: {  	_ =	shalt  }
0x7f: {  	_ =	shalt  }
0x80: {  	_ =	shalt  }
0x81: {  	_ =	shalt  }
0x82: {  	_ =	shalt  }
0x83: {  	_ =	shalt  }
0x84: {  	_ =	shalt  }
0x85: {  	_ =	shalt  }
0x86: {  	_ =	shalt  }
0x87: {  	_ =	shalt  }
.Lfunc_end0:
.L_simem_size_0:
called_computation_lowered:
.L_overlay_start_0:
0x88: {  	s2 =	sld [smem:$0x3FD9]  }
0x89: {  	s3 =	sld [smem:$0x3FFE];
	_ =	sdelay $0x1  }
0x8a: {  	s1 =	srdreg.scid  }
0x8b: {  	s0 =	sand.u32 $0x1, s1  }
0x8c: {  	s17 =	sshll.u32 s0, $0xA;
	s2 =	sadd.s32 s3, s2  }
0x8d: {  	s2 =	sadd.s32 s2, s17  }
0x8e: {  	[smem:$0x3FBB] =	sst s2  }
0x8f: {  	_ = 	snop  }
0x90: {  	s2 =	sld [smem:$0x3FD0];
	(tm) =	ssettm $0x1  }
0x91: {  	s18 =	sld [smem:$0x3FFB];
	_ =	sdelay $0x3  }
0x92: {  	_ =	strace s18  }
0x93: {  	s3 =	sld [smem:$0x3FFC];
	_ =	sdelay $0x3  }
0x94: {  	_ =	strace s3  }
0x95: {  	s3 =	sld [smem:$0x3FFD];
	_ =	sdelay $0x3  }
0x96: {  	_ =	strace s3  }
0x97: {  	_ =	strace $0x8FFFFFFF  }
0x98: {  	s19 =	sld [smem:$0x3FDB];
	_ =	sdelay $0x1  }
0x99: {  	s4 =	simm.s32 $_scs_section_size  }
0x9a: {  	s5 =	simm.s32 $_size__tile_overlayer_lowered;
	s6 =	simm.s32 $_tile_overlayer_lowered  }
0x9b: {  	s22 =	simm.s32 $0x1BFF;
	s21 =	sshll.u32 s6, $0x1;
	s3 =	sadd.s32 s4, s19  }
0x9c: {  	s7 =	simm.s32 $0x0;
	s20 =	sshll.u32 s5, $0x1;
	s5 =	sadd.s32 s21, s3  }
0x9d: {  	[timem:s7], [sflag:s22] =	dma.local [hbm:s5], s20  }
0x9e: {  	_ =	swait.ge [sflag:s22], s20  }
0x9f: {  	s4 =	ssub.s32 $0x0, s20;
	[sflag:s22] =	ssyncset.done $0x0  }
0xa0: {  	[sflag:s22] =	ssyncadd.s32 s4;
	_ =	sdelay $0x1  }
0xa1: {  	s23 =	simm.s32 $0x1B8B  }
0xa2: {  	_ =	swait.ge [sflag:s23], $0x1  }
0xa3: {  	[sflag:s23] =	ssyncset.done $0x0  }
0xa4: {  	s25 =	simm.s32 $0x1B8E;
	s24 =	sld [smem:$0x3FFE];
	[sflag:s23] =	ssyncadd.s32 $0xFFFFFFFF  }
0xa5: {  	s26 =	simm.s32 $execute0_lowered;
	[smem:$0x3FD2] =	sst s25  }
0xa6: {  	s5 =	sshll.u32 s26, $0x1;
	_ =	strace $0x80000046;
	[dreg:$0x1] =	wrdreg $0xFFFFFFFF  }
0xa7: {  	s28 =	simm.s32 $_size_execute0_lowered;
	s3 =	sadd.s32 s3, s5;
	[dreg:$0x0] =	wrdreg $0x0  }
0xa8: {  	s5 =	sshll.u32 s28, $0x1;
	[dreg:$0x2] =	wrdreg s3  }
0xa9: {  	[dreg:$0x3] =	wrdreg s5  }
0xaa: {  	[dreg:$0x4] =	wrdreg $0xC0  }
0xab: {  	_ =	task [dreg:s7], $0x5FFFF  }
0xac: {  	[dreg:$0x1] =	wrdreg $0xFFFFFFFF  }
0xad: {  	[dreg:$0x0] =	wrdreg $0x60  }
0xae: {  	[dreg:$0x2] =	wrdreg s24  }
0xaf: {  	[dreg:$0x3] =	wrdreg s2  }
0xb0: {  	[dreg:$0x4] =	wrdreg $0x40800  }
0xb1: {  	[dreg:$0x5] =	wrdreg $0x9  }
0xb2: {  	_ =	task.clear_ibuf [dreg:s7], $0x6FFFF;
	_ =	strace $0x90000046  }
0xb3: {  	s29 =	simm.s32 $0x9;
	_ =	strace $0x80000048  }
0xb4: {  	_ =	swait.ge [sflag:s29], $0x1  }
0xb5: {  	[sflag:s29] =	ssyncadd.s32 $0xFFFFFFFF  }
0xb6: {  	_ =	strace $0x90000048  }
0xb7: {  	_ =	sfence  }
0xb8: {  	s30 =	sld [smem:$0x0];
	_ =	sdelay $0x2  }
0xb9: {  	s31 =	sshll.u32 s1, $0xD;
	s1 =	sshrl.u32 s1, $0x2  }
0xba: {  	s3 =	sand.u32 $0x4000, s31;
	s1 =	sadd.s32 s1, s30  }
0xbb: {  	s0 =	sor.u32 s3, s0;
	s1 =	sshll.u32 s1, $0x11  }
0xbc: {  	s0 =	sor.u32 s1, s0  }
0xbd: {  	s0 =	sadd.s32 $0x8F2B, s0  }
0xbe: {  	[sflag:s0] =	ssyncadd.remote.s32 $0x1  }
0xbf: {  	_ =	sfence.sel $0xFFFF  }
0xc0: {  	[dreg:$0x0] =	wrdreg $0xFFFFFFFF;
	(pc) =	sbr.abs _section_cstart, $3  }
0xc1: {  	[dreg:$0x1] =	wrdreg $0xFFFFFFFF  }
0xc2: {  	_ =	task.clear_ibuf [dreg:s7], $0x2FFFF;
	_ =	strace $0x9FFFFFFF  }
0xc3: {  	(tm) =	ssettm $0x7FFFFFFF  }
tec
execute0_lowered:
.L_overlay_start_1:
0x0: {  	(tag) =	ssettag $0x1  }
0x1: {  	s6 =	rddreg [dreg:$0x0]  }
0x2: {  	s1 =	rddreg [dreg:$0x1]  }
0x3: {  	s2 =	rddreg [dreg:$0x2]  }
0x4: {  	s0 =	rddreg [dreg:$0x3];
	s3 =	srdreg.scid  }
0x5: {  	s4 =	simm.s32 $0x0;
	s13 =	simm.s32 $0x50;
	s14 =	simm.s32 $0x20  }
0x6: {  	s15 =	simm.s32 $0x10;
	s16 =	simm.s32 $0x0;
	s7 =	sand.u32 $0x1, s3  }
0x7: {  	s3 =	stileid.u32;
	[smem:$0x7FF] =	sst s4;
	s5 =	sshll.u32 s7, $0xB  }
0x8: {  	s8 =	smul.u32 $0x500, s3;
	_ =	strace $0x80000047;
	s10 =	sshll.u32 s7, $0x7  }
0x9: {  	s7 =	ssub.s32 $0x2, s7;
	s11 =	smul.u32 $0xA00, s3;
	s29 =	sshll.u32 s3, $0xC  }
0xa: {  	s31 =	sshll.u32 s3, $0x6;
	s9 =	sadd.s32 s5, s6;
	s28 =	sshrl.u32 s7, $0x1  }
0xb: {  	s5 =	sadd.s32 $0x13000, s6;
	s8 =	sor.u32 s10, s8;
	s10 =	ssub.s32 s7, s28  }
0xc: {  	s30 =	sshrl.u32 s11, $0x2;
	s9 =	sadd.s32 s29, s9;
	s11 =	simm.s32 $0x1  }
0xd: {  	s8 =	sshrl.u32 s8, $0x3;
	s12 =	sadd.s32 s30, s2;
	s7 =	sadd.s32 $0x3000, s9  }
0xe: {  	s9 =	smax.u32 s10, $0x1;
	s8 =	sadd.s32 s8, s6;
	s6 =	sor.u32 $0x1C01, s31  }
0xf: {  	s10 =	sshrl.u32 s12, $0x3;
	s12 =	simm.s32 $0x4000;
	s8 =	sadd.s32 $0x13200, s8  }
.LBB2_1:
0x10: {  	[spmem:s10], [sflag:s6] =	dma.local [hbm:s5], $0x50  }
0x11: {  	_ =	swait.ge [sflag:s11], $0x50  }
0x12: {  	[sflag:s11] =	ssyncset.done $0x0  }
0x13: {  	[sflag:s11] =	ssyncadd.s32 $0xFFFFFFB0  }
0x14: {  	[tilespmem:s12], [sflag:$0x1] =	stream.linear.gather [hbm4b:s1+s4], $0x80, $0x38;
	[tilespmem:$0x4300] =	vst v63  }
0x15: {  	_ =	swait.ge [sflag:s11], $0x80  }
0x16: {  	[sflag:s11] =	ssyncset.done $0x0  }
0x17: {  	[sflag:s11] =	ssyncadd.s32 $0xFFFFFF80  }
0x18: {  	[tilespmem:s4], [sflag:$0x1] =	stream.linear.gather [hbm4b:s7+s4], $0x3E80, $0x38;
	[tilespmem:$0x4300] =	vst v63  }
0x19: {  	_ =	swait.ge [sflag:s11], $0x3E80  }
0x1a: {  	[sflag:s11] =	ssyncset.done $0x0  }
0x1b: {  	[sflag:s11] =	ssyncadd.s32 $0xFFFFC180  }
0x1c: {  	s17 =	simm.s32 $0x0;
	[bflag:$0x0] =	sbarrier.arrive $0xFFFF  }
0x1d: {  	[spmem:s2] =	stream.indirect.scatter.add.f32 [tilespmem:s12], [sflag:$0x1], $0x1, s17, s13, $0xb8;
	[tilespmem:$0x4300] =	vst v63  }
0x1e: {  	_ =	swait.ge [sflag:s11], $0x50  }
0x1f: {  	s17 =	simm.s32 $0x200;
	[sflag:s11] =	ssyncset.done $0x0  }
.LBB2_2:
0x20: {  	s18 =	sshra.s32 s17, $0x2;
	[sflag:s11] =	ssyncadd.s32 $0xFFFFFFB0;
	p0 =	sne.s32 s17, $0xF800  }
0x21: {  	[spmem:s2] =	stream.indirect.scatter.add.f32 [tilespmem:s12], [sflag:$0x1], $0x1, s18, s13, $0xb8;
	[tilespmem:$0x4300] =	vst v63  }
.Ltmp0:
0x22: {  	_ = 	snop;
	(pc) =	sbr.rel @p0 .LBB2_2-.Ltmp0, $4  }
0x23: {  	_ = 	snop  }
0x24: {  	s17 =	sadd.s32 $0x200, s17  }
0x25: {  	_ =	swait.ge [sflag:s11], $0x50  }
0x26: {  	[sflag:s11] =	ssyncset.done $0x0  }
0x27: {  	s16 =	sadd.s32 $0x1, s16  }
0x28: {  	[sflag:s11] =	ssyncadd.s32 $0xFFFFFFB0;
	p0 =	sne.s32 s16, s9  }
.Ltmp1:
0x29: {  	[bflag:$0x0] =	sbarrier.arrive $0xFFFF;
	(pc) =	sbr.rel @p0 .LBB2_1-.Ltmp1, $4  }
0x2a: {  	[hbm:s8@s14], [sflag:s6] =	dma.strided [spmem:s10@s15], $0x50, s11, $0x10   }
0x2b: {  	_ =	swait.ge [sflag:s11], $0x50  }
0x2c: {  	[sflag:s11] =	ssyncset.done $0x0  }
0x2d: {  	[sflag:s11] =	ssyncadd.s32 $0xFFFFFFB0  }
0x2e: {  	_ =	sfence.sel $0x180000  }
0x2f: {  	[bflag:$0x0] =	sbarrier.arrive $0xFFFF  }
0x30: {  	p0 =	sne.s32 s3, $0x0;
	_ =	strace $0x90000047  }
0x31: {  	s0 =	sadd.s32 @!p0 $0x100000, s0;
	[bflag:$0x2] =	sbarrier.arrive $0xFFFF  }
0x32: {  	[sflag:s0] =	ssyncadd.tile.s32 @!p0 $0x1;
	_ =	shalt  }
.Lfunc_end2:
_tile_overlayer_lowered:
.L_overlay_start_2:
0x33: {  	(tag) =	ssettag $0x2  }
0x34: {  	s0 =	rddreg [dreg:$0x0];
	s2 =	stileid.u32  }
0x35: {  	s1 =	rddreg [dreg:$0x1];
	p0 =	sne.s32 s2, $0x0  }
0x36: {  	s3 =	rddreg [dreg:$0x2];
	[bflag:$0x3] =	sbarrier.arrive $0xFFFF;
	s2 =	simm.s32 @!p0 $0x1C01  }
0x37: {  	[timem:s3], [sflag:s2] =	dma.local @!p0 [hbm:s0], s1  }
0x38: {  	s0 =	simm.s32 @!p0 $0x1  }
0x39: {  	_ =	swait.ge @!p0 [sflag:s0], s1  }
0x3a: {  	s1 =	ssub.s32 @!p0 $0x0, s1;
	[sflag:s0] =	ssyncset.done @!p0 $0x0  }
0x3b: {  	[sflag:s0] =	ssyncadd.s32 @!p0 s1  }
0x3c: {  	[bflag:$0x3] =	sbarrier.arrive $0xFFFF  }
0x3d: {  	_ =	shalt  }

// kernel: kernel.13.cloned.1.call-start
scs
__scs_entry_jumppad:
0x0: {  	(pc) =	sbr.rel $0x88, $3  }
0x1: {  	(tag) =	ssettag $0x0;
	lr =	simm.s32 $0x1  }
0x2: {  	[smem:$0x3F94] =	sst lr;
	_ =	strace $0xD0000000  }
0x3: {  	_ = 	snop  }
0x4: {  	_ = 	snop  }
0x5: {  	_ = 	snop  }
0x6: {  	_ = 	snop  }
0x7: {  	_ = 	snop  }
__scs_overlays_trampoline_lowered:
0x8: {  	[smem:$0x3FA3] =	sst s0  }
0x9: {  	[smem:$0x3FA4] =	sst s1  }
0xa: {  	[smem:$0x3FA5] =	sst s2  }
0xb: {  	[smem:$0x3FA6] =	sst s3  }
0xc: {  	[smem:$0x3FA7] =	sst s4  }
0xd: {  	[smem:$0x3FA8] =	sst s5  }
0xe: {  	[smem:$0x3FA9] =	sst s6  }
0xf: {  	[smem:$0x3FAA] =	sst s7  }
0x10: {  	[smem:$0x3FAB] =	sst s8  }
0x11: {  	[smem:$0x3FAC] =	sst s9;
	s0 =	simm.s32 @!p0 $0x0  }
0x12: {  	s1 =	sld [smem:$0x3F92];
	s0 =	simm.s32 @p0 $0x1  }
0x13: {  	[smem:$0x3FAD] =	sst s0;
	s0 =	simm.s32 @!p1 $0x0  }
0x14: {  	s2 =	sld [smem:$0x3F91];
	s0 =	simm.s32 @p1 $0x1  }
0x15: {  	[smem:$0x3FAE] =	sst s0;
	s0 =	simm.s32 @!p2 $0x0  }
0x16: {  	s3 =	sld [smem:$0x3FDB];
	s0 =	simm.s32 @p2 $0x1  }
0x17: {  	s4 =	simm.s32 $0x1BF5;
	[smem:$0x3FB0] =	sst s0  }
0x18: {  	s0 =	sld [smem:$0x3F93];
	_ =	swait.ge [sflag:s4], $0x0  }
0x19: {  	s7 =	sld [smem:$0x3F94]  }
0x1a: {  	s8 =	sadd.s32 $0xFFFFE003, lr  }
0x1b: {  	s9 =	sadd.s32 $0xFFFFFEF7, lr;
	s5 =	simm.s32 $0xFFFFFFFF;
	p2 =	slt.u32 s8, $0xFFFFF086  }
0x1c: {  	p1 =	slt.u32 s9, $0xF7A;
	s5 =	simm.s32 @!p2 $0x0  }
0x1d: {  	s5 =	simm.s32 @p1 $0x1;
	p0 =	seq.s32 s7, s2  }
0x1e: {  	s7 =	smul.u32 @!p0 $0xF7A, s2;
	p2 =	seq.s32 @!p0 s5, $0x0  }
0x1f: {  	s9 =	smul.u32 $0xF7A, s1;
	s8 =	simm.s32 @!p0 $0x1BF5;
	p2 =	por !p2, p0  }
0x20: {  	[sflag:s8] =	ssyncset.s32 @!p0 $0xFFFFF086;
	s6 =	sadd.s32 @!p0 s3, s7;
	s7 =	simm.s32 @!p0 $0x108  }
0x21: {  	s3 =	sadd.s32 s3, s9;
	s6 =	sadd.s32 @!p0 $0x88, s6;
	s7 =	simm.s32 @p2 $0x1082  }
0x22: {  	[simem:s7], [sflag:s8] =	dma.local @!p0 [hbm:s6], $0xF7A  }
0x23: {  	s9 =	sor.u32 $0xD0000000, s2;
	s6 =	simm.s32 $0x108;
	_ =	swait.ge @!p0 [sflag:s8], $0x0  }
0x24: {  	s3 =	sadd.s32 $0x88, s3;
	s6 =	simm.s32 @!p1 $0x1082;
	[sflag:s4] =	ssyncset.s32 $0xFFFFF086  }
0x25: {  	[simem:s6], [sflag:s4] =	dma.local [hbm:s3], $0xF7A  }
0x26: {  	[smem:$0x3F94] =	sst s1;
	(tag) =	ssettag s2;
	_ =	strace s9  }
0x27: {  	s1 =	sld [smem:$0x3FA4]  }
0x28: {  	s2 =	sld [smem:$0x3FA5]  }
0x29: {  	s4 =	sld [smem:$0x3FA7]  }
0x2a: {  	p0 =	seq.s32 s5, $0x0;
	s5 =	sld [smem:$0x3FA8]  }
0x2b: {  	s6 =	sld [smem:$0x3FA9]  }
0x2c: {  	s7 =	sld [smem:$0x3FAA]  }
0x2d: {  	s3 =	simm.s32 $0x108;
	s8 =	sld [smem:$0x3FAB]  }
0x2e: {  	s3 =	simm.s32 @!p0 $0x1082;
	s9 =	sld [smem:$0x3FAC]  }
0x2f: {  	lr =	sadd.s32 s0, s3;
	s0 =	sld [smem:$0x3FA3]  }
0x30: {  	s3 =	sld [smem:$0x3FA6]  }
0x31: {  	[smem:$0x3FAF] =	sst s10  }
0x32: {  	s10 =	sld [smem:$0x3FAD];
	_ =	sdelay $0x3  }
0x33: {  	p0 =	seq.s32 s10, $0x1;
	s10 =	sld [smem:$0x3FAF];
	_ =	sdelay $0x3  }
0x34: {  	[smem:$0x3FAF] =	sst s10  }
0x35: {  	s10 =	sld [smem:$0x3FAE];
	_ =	sdelay $0x3  }
0x36: {  	p1 =	seq.s32 s10, $0x1;
	s10 =	sld [smem:$0x3FAF];
	_ =	sdelay $0x3  }
0x37: {  	[smem:$0x3FAF] =	sst s10  }
0x38: {  	s10 =	sld [smem:$0x3FB0]  }
0x39: {  	_ = 	snop;
	(pc) =	sbr.ind lr, $3  }
0x3a: {  	_ = 	snop  }
0x3b: {  	_ = 	snop  }
0x3c: {  	p2 =	seq.s32 s10, $0x1;
	s10 =	sld [smem:$0x3FAF]  }
0x3d: {  	_ =	shalt  }
0x3e: {  	_ =	shalt  }
0x3f: {  	_ =	shalt  }
0x40: {  	_ =	shalt  }
0x41: {  	_ =	shalt  }
0x42: {  	_ =	shalt  }
0x43: {  	_ =	shalt  }
0x44: {  	_ =	shalt  }
0x45: {  	_ =	shalt  }
0x46: {  	_ =	shalt  }
0x47: {  	_ =	shalt  }
0x48: {  	_ =	shalt  }
0x49: {  	_ =	shalt  }
0x4a: {  	_ =	shalt  }
0x4b: {  	_ =	shalt  }
0x4c: {  	_ =	shalt  }
0x4d: {  	_ =	shalt  }
0x4e: {  	_ =	shalt  }
0x4f: {  	_ =	shalt  }
0x50: {  	_ =	shalt  }
0x51: {  	_ =	shalt  }
0x52: {  	_ =	shalt  }
0x53: {  	_ =	shalt  }
0x54: {  	_ =	shalt  }
0x55: {  	_ =	shalt  }
0x56: {  	_ =	shalt  }
0x57: {  	_ =	shalt  }
0x58: {  	_ =	shalt  }
0x59: {  	_ =	shalt  }
0x5a: {  	_ =	shalt  }
0x5b: {  	_ =	shalt  }
0x5c: {  	_ =	shalt  }
0x5d: {  	_ =	shalt  }
0x5e: {  	_ =	shalt  }
0x5f: {  	_ =	shalt  }
0x60: {  	_ =	shalt  }
0x61: {  	_ =	shalt  }
0x62: {  	_ =	shalt  }
0x63: {  	_ =	shalt  }
0x64: {  	_ =	shalt  }
0x65: {  	_ =	shalt  }
0x66: {  	_ =	shalt  }
0x67: {  	_ =	shalt  }
0x68: {  	_ =	shalt  }
0x69: {  	_ =	shalt  }
0x6a: {  	_ =	shalt  }
0x6b: {  	_ =	shalt  }
0x6c: {  	_ =	shalt  }
0x6d: {  	_ =	shalt  }
0x6e: {  	_ =	shalt  }
0x6f: {  	_ =	shalt  }
0x70: {  	_ =	shalt  }
0x71: {  	_ =	shalt  }
0x72: {  	_ =	shalt  }
0x73: {  	_ =	shalt  }
0x74: {  	_ =	shalt  }
0x75: {  	_ =	shalt  }
0x76: {  	_ =	shalt  }
0x77: {  	_ =	shalt  }
0x78: {  	_ =	shalt  }
0x79: {  	_ =	shalt  }
0x7a: {  	_ =	shalt  }
0x7b: {  	_ =	shalt  }
0x7c: {  	_ =	shalt  }
0x7d: {  	_ =	shalt  }
0x7e: {  	_ =	shalt  }
0x7f: {  	_ =	shalt  }
0x80: {  	_ =	shalt  }
0x81: {  	_ =	shalt  }
0x82: {  	_ =	shalt  }
0x83: {  	_ =	shalt  }
0x84: {  	_ =	shalt  }
0x85: {  	_ =	shalt  }
0x86: {  	_ =	shalt  }
0x87: {  	_ =	shalt  }
.Lfunc_end0:
.L_simem_size_0:
called_computation.1_lowered:
.L_overlay_start_0:
0x88: {  	s2 =	sld [smem:$0x3FD9]  }
0x89: {  	s3 =	sld [smem:$0x3FFE];
	_ =	sdelay $0x1  }
0x8a: {  	s1 =	srdreg.scid  }
0x8b: {  	s0 =	sand.u32 $0x1, s1  }
0x8c: {  	s16 =	sshll.u32 s0, $0xA;
	s2 =	sadd.s32 s3, s2  }
0x8d: {  	s2 =	sadd.s32 s2, s16  }
0x8e: {  	[smem:$0x3FBB] =	sst s2  }
0x8f: {  	_ = 	snop  }
0x90: {  	(tm) =	ssettm $0x1  }
0x91: {  	s17 =	sld [smem:$0x3FFB];
	_ =	sdelay $0x3  }
0x92: {  	_ =	strace s17  }
0x93: {  	s2 =	sld [smem:$0x3FFC];
	_ =	sdelay $0x3  }
0x94: {  	_ =	strace s2  }
0x95: {  	s2 =	sld [smem:$0x3FFD];
	_ =	sdelay $0x3  }
0x96: {  	_ =	strace s2  }
0x97: {  	_ =	strace $0x8FFFFFFF  }
0x98: {  	s18 =	sld [smem:$0x3FDB];
	_ =	sdelay $0x1  }
0x99: {  	s19 =	simm.s32 $_scs_section_size  }
0x9a: {  	s4 =	simm.s32 $_size__tile_overlayer_lowered;
	s5 =	simm.s32 $_tile_overlayer_lowered  }
0x9b: {  	s22 =	simm.s32 $0x1BFF;
	s21 =	sshll.u32 s5, $0x1;
	s2 =	sadd.s32 s19, s18  }
0x9c: {  	s6 =	simm.s32 $0x0;
	s20 =	sshll.u32 s4, $0x1;
	s4 =	sadd.s32 s21, s2  }
0x9d: {  	[timem:s6], [sflag:s22] =	dma.local [hbm:s4], s20  }
0x9e: {  	_ =	swait.ge [sflag:s22], s20  }
0x9f: {  	s3 =	ssub.s32 $0x0, s20;
	[sflag:s22] =	ssyncset.done $0x0  }
0xa0: {  	[sflag:s22] =	ssyncadd.s32 s3;
	_ =	sdelay $0x1  }
0xa1: {  	s23 =	simm.s32 $0x1B8B  }
0xa2: {  	_ =	swait.ge [sflag:s23], $0x1  }
0xa3: {  	[sflag:s23] =	ssyncset.done $0x0  }
0xa4: {  	s25 =	simm.s32 $0x1B8E;
	s24 =	sld [smem:$0x3FFE];
	[sflag:s23] =	ssyncadd.s32 $0xFFFFFFFF  }
0xa5: {  	s26 =	simm.s32 $execute0_lowered;
	[smem:$0x3FD2] =	sst s25  }
0xa6: {  	s4 =	sshll.u32 s26, $0x1;
	_ =	strace $0x80000049;
	[dreg:$0x1] =	wrdreg $0xFFFFFFFF  }
0xa7: {  	s28 =	simm.s32 $_size_execute0_lowered;
	s2 =	sadd.s32 s2, s4;
	[dreg:$0x0] =	wrdreg $0x0  }
0xa8: {  	s4 =	sshll.u32 s28, $0x1;
	[dreg:$0x2] =	wrdreg s2  }
0xa9: {  	[dreg:$0x3] =	wrdreg s4  }
0xaa: {  	[dreg:$0x4] =	wrdreg $0xC0  }
0xab: {  	_ =	task [dreg:s6], $0x5FFFF  }
0xac: {  	[dreg:$0x1] =	wrdreg $0xFFFFFFFF  }
0xad: {  	[dreg:$0x0] =	wrdreg $0x60  }
0xae: {  	[dreg:$0x2] =	wrdreg s24  }
0xaf: {  	[dreg:$0x3] =	wrdreg $0xA8000  }
0xb0: {  	[dreg:$0x4] =	wrdreg $0x9  }
0xb1: {  	_ =	task.clear_ibuf [dreg:s6], $0x5FFFF;
	_ =	strace $0x90000049  }
0xb2: {  	s29 =	simm.s32 $0x9;
	_ =	strace $0x8000004B  }
0xb3: {  	_ =	swait.ge [sflag:s29], $0x1  }
0xb4: {  	[sflag:s29] =	ssyncadd.s32 $0xFFFFFFFF  }
0xb5: {  	_ =	strace $0x9000004B  }
0xb6: {  	_ =	sfence  }
0xb7: {  	s30 =	sld [smem:$0x0];
	_ =	sdelay $0x2  }
0xb8: {  	s31 =	sshll.u32 s1, $0xD;
	s1 =	sshrl.u32 s1, $0x2  }
0xb9: {  	s3 =	sand.u32 $0x4000, s31;
	s1 =	sadd.s32 s1, s30  }
0xba: {  	s0 =	sor.u32 s3, s0;
	s1 =	sshll.u32 s1, $0x11  }
0xbb: {  	s0 =	sor.u32 s1, s0  }
0xbc: {  	s0 =	sadd.s32 $0x8F2B, s0  }
0xbd: {  	[sflag:s0] =	ssyncadd.remote.s32 $0x1  }
0xbe: {  	_ =	sfence.sel $0xFFFF  }
0xbf: {  	[dreg:$0x0] =	wrdreg $0xFFFFFFFF;
	(pc) =	sbr.abs _section_cstart, $3  }
0xc0: {  	[dreg:$0x1] =	wrdreg $0xFFFFFFFF  }
0xc1: {  	_ =	task.clear_ibuf [dreg:s6], $0x2FFFF;
	_ =	strace $0x9FFFFFFF  }
0xc2: {  	(tm) =	ssettm $0x7FFFFFFF  }
0xc3: {  	_ =	shalt  }
tec
execute0_lowered:
.L_overlay_start_1:
0x0: {  	(tag) =	ssettag $0x1  }
0x1: {  	s6 =	rddreg [dreg:$0x0]  }
0x2: {  	s1 =	rddreg [dreg:$0x1]  }
0x3: {  	s0 =	rddreg [dreg:$0x2]  }
0x4: {  	s3 =	simm.s32 $0x0;
	s2 =	srdreg.scid;
	s13 =	simm.s32 $0x4000  }
0x5: {  	s14 =	simm.s32 $0x50;
	s15 =	simm.s32 $0x8000;
	s16 =	simm.s32 $0x1  }
0x6: {  	s17 =	simm.s32 $0x0;
	[smem:$0x7FF] =	sst s3;
	s7 =	sand.u32 $0x1, s2  }
0x7: {  	s2 =	stileid.u32;
	s4 =	sadd.s32 $0x23C00, s6;
	s5 =	smul.u32 $0x13C000, s7  }
0x8: {  	s8 =	sshll.u32 s2, $0xC;
	s9 =	sshll.u32 s7, $0xB;
	s10 =	smul.u32 $0x13C00, s2  }
0x9: {  	_ =	strace $0x8000004A;
	s29 =	smul.u32 $0x4F000, s2;
	s7 =	ssub.s32 $0x2, s7  }
0xa: {  	s31 =	sshll.u32 s2, $0x6;
	s8 =	sor.u32 s9, s8;
	s30 =	sshrl.u32 s7, $0x1  }
0xb: {  	s8 =	sadd.s32 s8, s6;
	s28 =	sadd.s32 s10, s5;
	s5 =	sadd.s32 $0x4AE00, s6  }
0xc: {  	s10 =	sshrl.u32 s29, $0x2;
	s11 =	ssub.s32 s7, s30;
	s9 =	sshrl.u32 s28, $0x3  }
0xd: {  	s12 =	sadd.s32 s10, s1;
	s7 =	sadd.s32 $0x13C00, s8;
	s8 =	sadd.s32 $0x3000, s8  }
0xe: {  	s10 =	smax.u32 s11, $0x1;
	s9 =	sadd.s32 s9, s6;
	s6 =	sor.u32 $0x1C02, s31  }
0xf: {  	s11 =	sshrl.u32 s12, $0x3;
	s12 =	simm.s32 $0x2;
	s9 =	sadd.s32 $0x4D600, s9  }
.LBB2_1:
0x10: {  	[spmem:s11], [sflag:s6] =	dma.local [hbm:s5], $0x2780  }
0x11: {  	_ =	swait.ge [sflag:s12], $0x2780  }
0x12: {  	[sflag:s12] =	ssyncset.done $0x0  }
0x13: {  	[sflag:s12] =	ssyncadd.s32 $0xFFFFD880  }
0x14: {  	[tilespmem:s3], [sflag:$0x2] =	stream.linear.gather [hbm4b:s7+s3], $0x3E80, $0x38;
	[tilespmem:$0x1E400] =	vst v63  }
0x15: {  	_ =	swait.ge [sflag:s12], $0x3E80  }
0x16: {  	[sflag:s12] =	ssyncset.done $0x0  }
0x17: {  	[sflag:s12] =	ssyncadd.s32 $0xFFFFC180  }
0x18: {  	[tilespmem:s13], [sflag:$0x2] =	stream.linear.gather [hbm4b:s8+s3], $0x3E80, $0x38;
	[tilespmem:$0x1E400] =	vst v63  }
0x19: {  	_ =	swait.ge [sflag:s12], $0x3E80  }
0x1a: {  	[sflag:s12] =	ssyncset.done $0x0  }
0x1b: {  	[sflag:s12] =	ssyncadd.s32 $0xFFFFC180  }
0x1c: {  	s18 =	simm.s32 $0x0;
	[bflag:$0x0] =	sbarrier.arrive $0xFFFF  }
0x1d: {  	[tilespmem:s15], [sflag:$0x1] =	stream.indirect.gather [hbm4b:s4+s14], $0x80, s18, s14, $0xb8;
	[tilespmem:$0x1E400] =	vst v63  }
0x1e: {  	_ =	swait.ge [sflag:s16], $0x2800  }
0x1f: {  	[sflag:s16] =	ssyncset.done $0x0  }
0x20: {  	s31 =	simm.s32 $0x4000;
	[sflag:s16] =	ssyncadd.s32 $0xFFFFD800  }
0x21: {  	[spmem:s1] =	stream.indirect.scatter.add.f32 [tilespmem:s15], [sflag:$0x2], $0x80, s31, s14, $0xb8;
	[tilespmem:$0x1E400] =	vst v63  }
0x22: {  	_ =	swait.ge [sflag:s12], $0x2800  }
0x23: {  	s19 =	simm.s32 $0x400;
	s18 =	simm.s32 $0x200;
	[sflag:s12] =	ssyncset.done $0x0  }
.LBB2_2:
0x24: {  	s20 =	sshra.s32 s18, $0x2  }
0x25: {  	[sflag:s12] =	ssyncadd.s32 $0xFFFFD800;
	s18 =	smov.u32 s19;
	s21 =	sadd.s32 $0x200, s19  }
0x26: {  	[tilespmem:s15], [sflag:$0x1] =	stream.indirect.gather [hbm4b:s4+s14], $0x80, s20, s14, $0xb8;
	[tilespmem:$0x1E400] =	vst v63  }
0x27: {  	p0 =	sne.s32 s19, $0xF800;
	_ =	swait.ge [sflag:s16], $0x2800  }
.Ltmp0:
0x28: {  	[sflag:s16] =	ssyncset.done $0x0;
	(pc) =	sbr.rel @p0 .LBB2_2-.Ltmp0, $4  }
0x29: {  	s19 =	sadd.s32 $0x4000, s20;
	[sflag:s16] =	ssyncadd.s32 $0xFFFFD800  }
0x2a: {  	[spmem:s1] =	stream.indirect.scatter.add.f32 [tilespmem:s15], [sflag:$0x2], $0x80, s19, s14, $0xb8;
	[tilespmem:$0x1E400] =	vst v63  }
0x2b: {  	_ =	swait.ge [sflag:s12], $0x2800  }
0x2c: {  	s19 =	smov.u32 s21;
	[sflag:s12] =	ssyncset.done $0x0  }
0x2d: {  	s18 =	sshra.s32 s18, $0x2;
	[sflag:s12] =	ssyncadd.s32 $0xFFFFD800  }
0x2e: {  	[tilespmem:s15], [sflag:$0x1] =	stream.indirect.gather [hbm4b:s4+s14], $0x80, s18, s14, $0xb8;
	[tilespmem:$0x1E400] =	vst v63  }
0x2f: {  	_ =	swait.ge [sflag:s16], $0x2800  }
0x30: {  	[sflag:s16] =	ssyncset.done $0x0  }
0x31: {  	s18 =	sadd.s32 $0x4000, s18;
	[sflag:s16] =	ssyncadd.s32 $0xFFFFD800  }
0x32: {  	[spmem:s1] =	stream.indirect.scatter.add.f32 [tilespmem:s15], [sflag:$0x2], $0x80, s18, s14, $0xb8;
	[tilespmem:$0x1E400] =	vst v63  }
0x33: {  	_ =	swait.ge [sflag:s12], $0x2800  }
0x34: {  	s17 =	sadd.s32 $0x1, s17;
	[sflag:s12] =	ssyncset.done $0x0  }
0x35: {  	p0 =	sne.s32 s17, s10;
	[sflag:s12] =	ssyncadd.s32 $0xFFFFD800  }
.Ltmp1:
0x36: {  	[bflag:$0x0] =	sbarrier.arrive $0xFFFF;
	(pc) =	sbr.rel @p0 .LBB2_1-.Ltmp1, $4  }
0x37: {  	[hbm:s9], [sflag:s6] =	dma.local [spmem:s11], $0x2780  }
0x38: {  	_ =	swait.ge [sflag:s12], $0x2780  }
0x39: {  	[sflag:s12] =	ssyncset.done $0x0  }
0x3a: {  	[sflag:s12] =	ssyncadd.s32 $0xFFFFD880  }
0x3b: {  	_ =	sfence.sel $0x180000  }
0x3c: {  	[bflag:$0x0] =	sbarrier.arrive $0xFFFF  }
0x3d: {  	p0 =	sne.s32 s2, $0x0;
	_ =	strace $0x9000004A  }
0x3e: {  	s0 =	sadd.s32 @!p0 $0x100000, s0;
	[bflag:$0x2] =	sbarrier.arrive $0xFFFF  }
0x3f: {  	[sflag:s0] =	ssyncadd.tile.s32 @!p0 $0x1;
	_ =	shalt  }
.Lfunc_end2:
_tile_overlayer_lowered:
.L_overlay_start_2:
0x40: {  	(tag) =	ssettag $0x2  }
0x41: {  	s0 =	rddreg [dreg:$0x0];
	s2 =	stileid.u32  }
0x42: {  	s1 =	rddreg [dreg:$0x1];
	p0 =	sne.s32 s2, $0x0  }
0x43: {  	s3 =	rddreg [dreg:$0x2];
	[bflag:$0x3] =	sbarrier.arrive $0xFFFF;
	s2 =	simm.s32 @!p0 $0x1C02  }
0x44: {  	[timem:s3], [sflag:s2] =	dma.local @!p0 [hbm:s0], s1  }
0x45: {  	s0 =	simm.s32 @!p0 $0x2  }
0x46: {  	_ =	swait.ge @!p0 [sflag:s0], s1  }
0x47: {  	s1 =	ssub.s32 @!p0 $0x0, s1;
	[sflag:s0] =	ssyncset.done @!p0 $0x0  }
0x48: {  	[sflag:s0] =	ssyncadd.s32 @!p0 s1  }
0x49: {  	[bflag:$0x3] =	sbarrier.arrive $0xFFFF  }
0x4a: {  	_ =	shalt  }

// kernel: kernel.16.cloned.1.call-start
scs
__scs_entry_jumppad:
0x0: {  	(pc) =	sbr.rel $0x88, $3  }
0x1: {  	(tag) =	ssettag $0x0;
	lr =	simm.s32 $0x1  }
0x2: {  	[smem:$0x3F94] =	sst lr;
	_ =	strace $0xD0000000  }
0x3: {  	_ = 	snop  }
0x4: {  	_ = 	snop  }
0x5: {  	_ = 	snop  }
0x6: {  	_ = 	snop  }
0x7: {  	_ = 	snop  }
__scs_overlays_trampoline_lowered:
0x8: {  	[smem:$0x3FA3] =	sst s0  }
0x9: {  	[smem:$0x3FA4] =	sst s1  }
0xa: {  	[smem:$0x3FA5] =	sst s2  }
0xb: {  	[smem:$0x3FA6] =	sst s3  }
0xc: {  	[smem:$0x3FA7] =	sst s4  }
0xd: {  	[smem:$0x3FA8] =	sst s5  }
0xe: {  	[smem:$0x3FA9] =	sst s6  }
0xf: {  	[smem:$0x3FAA] =	sst s7  }
0x10: {  	[smem:$0x3FAB] =	sst s8  }
0x11: {  	[smem:$0x3FAC] =	sst s9;
	s0 =	simm.s32 @!p0 $0x0  }
0x12: {  	s1 =	sld [smem:$0x3F92];
	s0 =	simm.s32 @p0 $0x1  }
0x13: {  	[smem:$0x3FAD] =	sst s0;
	s0 =	simm.s32 @!p1 $0x0  }
0x14: {  	s2 =	sld [smem:$0x3F91];
	s0 =	simm.s32 @p1 $0x1  }
0x15: {  	[smem:$0x3FAE] =	sst s0;
	s0 =	simm.s32 @!p2 $0x0  }
0x16: {  	s3 =	sld [smem:$0x3FDB];
	s0 =	simm.s32 @p2 $0x1  }
0x17: {  	s4 =	simm.s32 $0x1BF5;
	[smem:$0x3FB0] =	sst s0  }
0x18: {  	s0 =	sld [smem:$0x3F93];
	_ =	swait.ge [sflag:s4], $0x0  }
0x19: {  	s7 =	sld [smem:$0x3F94]  }
0x1a: {  	s8 =	sadd.s32 $0xFFFFE003, lr  }
0x1b: {  	s9 =	sadd.s32 $0xFFFFFEF7, lr;
	s5 =	simm.s32 $0xFFFFFFFF;
	p2 =	slt.u32 s8, $0xFFFFF086  }
0x1c: {  	p1 =	slt.u32 s9, $0xF7A;
	s5 =	simm.s32 @!p2 $0x0  }
0x1d: {  	s5 =	simm.s32 @p1 $0x1;
	p0 =	seq.s32 s7, s2  }
0x1e: {  	s7 =	smul.u32 @!p0 $0xF7A, s2;
	p2 =	seq.s32 @!p0 s5, $0x0  }
0x1f: {  	s9 =	smul.u32 $0xF7A, s1;
	s8 =	simm.s32 @!p0 $0x1BF5;
	p2 =	por !p2, p0  }
0x20: {  	[sflag:s8] =	ssyncset.s32 @!p0 $0xFFFFF086;
	s6 =	sadd.s32 @!p0 s3, s7;
	s7 =	simm.s32 @!p0 $0x108  }
0x21: {  	s3 =	sadd.s32 s3, s9;
	s6 =	sadd.s32 @!p0 $0x88, s6;
	s7 =	simm.s32 @p2 $0x1082  }
0x22: {  	[simem:s7], [sflag:s8] =	dma.local @!p0 [hbm:s6], $0xF7A  }
0x23: {  	s9 =	sor.u32 $0xD0000000, s2;
	s6 =	simm.s32 $0x108;
	_ =	swait.ge @!p0 [sflag:s8], $0x0  }
0x24: {  	s3 =	sadd.s32 $0x88, s3;
	s6 =	simm.s32 @!p1 $0x1082;
	[sflag:s4] =	ssyncset.s32 $0xFFFFF086  }
0x25: {  	[simem:s6], [sflag:s4] =	dma.local [hbm:s3], $0xF7A  }
0x26: {  	[smem:$0x3F94] =	sst s1;
	(tag) =	ssettag s2;
	_ =	strace s9  }
0x27: {  	s1 =	sld [smem:$0x3FA4]  }
0x28: {  	s2 =	sld [smem:$0x3FA5]  }
0x29: {  	s4 =	sld [smem:$0x3FA7]  }
0x2a: {  	p0 =	seq.s32 s5, $0x0;
	s5 =	sld [smem:$0x3FA8]  }
0x2b: {  	s6 =	sld [smem:$0x3FA9]  }
0x2c: {  	s7 =	sld [smem:$0x3FAA]  }
0x2d: {  	s3 =	simm.s32 $0x108;
	s8 =	sld [smem:$0x3FAB]  }
0x2e: {  	s3 =	simm.s32 @!p0 $0x1082;
	s9 =	sld [smem:$0x3FAC]  }
0x2f: {  	lr =	sadd.s32 s0, s3;
	s0 =	sld [smem:$0x3FA3]  }
0x30: {  	s3 =	sld [smem:$0x3FA6]  }
0x31: {  	[smem:$0x3FAF] =	sst s10  }
0x32: {  	s10 =	sld [smem:$0x3FAD];
	_ =	sdelay $0x3  }
0x33: {  	p0 =	seq.s32 s10, $0x1;
	s10 =	sld [smem:$0x3FAF];
	_ =	sdelay $0x3  }
0x34: {  	[smem:$0x3FAF] =	sst s10  }
0x35: {  	s10 =	sld [smem:$0x3FAE];
	_ =	sdelay $0x3  }
0x36: {  	p1 =	seq.s32 s10, $0x1;
	s10 =	sld [smem:$0x3FAF];
	_ =	sdelay $0x3  }
0x37: {  	[smem:$0x3FAF] =	sst s10  }
0x38: {  	s10 =	sld [smem:$0x3FB0]  }
0x39: {  	_ = 	snop;
	(pc) =	sbr.ind lr, $3  }
0x3a: {  	_ = 	snop  }
0x3b: {  	_ = 	snop  }
0x3c: {  	p2 =	seq.s32 s10, $0x1;
	s10 =	sld [smem:$0x3FAF]  }
0x3d: {  	_ =	shalt  }
0x3e: {  	_ =	shalt  }
0x3f: {  	_ =	shalt  }
0x40: {  	_ =	shalt  }
0x41: {  	_ =	shalt  }
0x42: {  	_ =	shalt  }
0x43: {  	_ =	shalt  }
0x44: {  	_ =	shalt  }
0x45: {  	_ =	shalt  }
0x46: {  	_ =	shalt  }
0x47: {  	_ =	shalt  }
0x48: {  	_ =	shalt  }
0x49: {  	_ =	shalt  }
0x4a: {  	_ =	shalt  }
0x4b: {  	_ =	shalt  }
0x4c: {  	_ =	shalt  }
0x4d: {  	_ =	shalt  }
0x4e: {  	_ =	shalt  }
0x4f: {  	_ =	shalt  }
0x50: {  	_ =	shalt  }
0x51: {  	_ =	shalt  }
0x52: {  	_ =	shalt  }
0x53: {  	_ =	shalt  }
0x54: {  	_ =	shalt  }
0x55: {  	_ =	shalt  }
0x56: {  	_ =	shalt  }
0x57: {  	_ =	shalt  }
0x58: {  	_ =	shalt  }
0x59: {  	_ =	shalt  }
0x5a: {  	_ =	shalt  }
0x5b: {  	_ =	shalt  }
0x5c: {  	_ =	shalt  }
0x5d: {  	_ =	shalt  }
0x5e: {  	_ =	shalt  }
0x5f: {  	_ =	shalt  }
0x60: {  	_ =	shalt  }
0x61: {  	_ =	shalt  }
0x62: {  	_ =	shalt  }
0x63: {  	_ =	shalt  }
0x64: {  	_ =	shalt  }
0x65: {  	_ =	shalt  }
0x66: {  	_ =	shalt  }
0x67: {  	_ =	shalt  }
0x68: {  	_ =	shalt  }
0x69: {  	_ =	shalt  }
0x6a: {  	_ =	shalt  }
0x6b: {  	_ =	shalt  }
0x6c: {  	_ =	shalt  }
0x6d: {  	_ =	shalt  }
0x6e: {  	_ =	shalt  }
0x6f: {  	_ =	shalt  }
0x70: {  	_ =	shalt  }
0x71: {  	_ =	shalt  }
0x72: {  	_ =	shalt  }
0x73: {  	_ =	shalt  }
0x74: {  	_ =	shalt  }
0x75: {  	_ =	shalt  }
0x76: {  	_ =	shalt  }
0x77: {  	_ =	shalt  }
0x78: {  	_ =	shalt  }
0x79: {  	_ =	shalt  }
0x7a: {  	_ =	shalt  }
0x7b: {  	_ =	shalt  }
0x7c: {  	_ =	shalt  }
0x7d: {  	_ =	shalt  }
0x7e: {  	_ =	shalt  }
0x7f: {  	_ =	shalt  }
0x80: {  	_ =	shalt  }
0x81: {  	_ =	shalt  }
0x82: {  	_ =	shalt  }
0x83: {  	_ =	shalt  }
0x84: {  	_ =	shalt  }
0x85: {  	_ =	shalt  }
0x86: {  	_ =	shalt  }
0x87: {  	_ =	shalt  }
.Lfunc_end0:
.L_simem_size_0:
called_computation.2_lowered:
.L_overlay_start_0:
0x88: {  	s2 =	sld [smem:$0x3FD9]  }
0x89: {  	s3 =	sld [smem:$0x3FFE];
	_ =	sdelay $0x1  }
0x8a: {  	s1 =	srdreg.scid  }
0x8b: {  	s0 =	sand.u32 $0x1, s1  }
0x8c: {  	s16 =	sshll.u32 s0, $0xA;
	s2 =	sadd.s32 s3, s2  }
0x8d: {  	s2 =	sadd.s32 s2, s16  }
0x8e: {  	[smem:$0x3FBB] =	sst s2  }
0x8f: {  	_ = 	snop  }
0x90: {  	(tm) =	ssettm $0x1  }
0x91: {  	s17 =	sld [smem:$0x3FFB];
	_ =	sdelay $0x3  }
0x92: {  	_ =	strace s17  }
0x93: {  	s2 =	sld [smem:$0x3FFC];
	_ =	sdelay $0x3  }
0x94: {  	_ =	strace s2  }
0x95: {  	s2 =	sld [smem:$0x3FFD];
	_ =	sdelay $0x3  }
0x96: {  	_ =	strace s2  }
0x97: {  	_ =	strace $0x8FFFFFFF  }
0x98: {  	s18 =	sld [smem:$0x3FDB];
	_ =	sdelay $0x1  }
0x99: {  	s19 =	simm.s32 $_scs_section_size  }
0x9a: {  	s4 =	simm.s32 $_size__tile_overlayer_lowered;
	s5 =	simm.s32 $_tile_overlayer_lowered  }
0x9b: {  	s22 =	simm.s32 $0x1BFF;
	s21 =	sshll.u32 s5, $0x1;
	s2 =	sadd.s32 s19, s18  }
0x9c: {  	s6 =	simm.s32 $0x0;
	s20 =	sshll.u32 s4, $0x1;
	s4 =	sadd.s32 s21, s2  }
0x9d: {  	[timem:s6], [sflag:s22] =	dma.local [hbm:s4], s20  }
0x9e: {  	_ =	swait.ge [sflag:s22], s20  }
0x9f: {  	s3 =	ssub.s32 $0x0, s20;
	[sflag:s22] =	ssyncset.done $0x0  }
0xa0: {  	[sflag:s22] =	ssyncadd.s32 s3;
	_ =	sdelay $0x1  }
0xa1: {  	s23 =	simm.s32 $0x1B8B  }
0xa2: {  	_ =	swait.ge [sflag:s23], $0x1  }
0xa3: {  	[sflag:s23] =	ssyncset.done $0x0  }
0xa4: {  	s25 =	simm.s32 $0x1B8E;
	s24 =	sld [smem:$0x3FFE];
	[sflag:s23] =	ssyncadd.s32 $0xFFFFFFFF  }
0xa5: {  	s26 =	simm.s32 $execute0_lowered;
	[smem:$0x3FD2] =	sst s25  }
0xa6: {  	s4 =	sshll.u32 s26, $0x1;
	_ =	strace $0x8000004C;
	[dreg:$0x1] =	wrdreg $0xFFFFFFFF  }
0xa7: {  	s28 =	simm.s32 $_size_execute0_lowered;
	s2 =	sadd.s32 s2, s4;
	[dreg:$0x0] =	wrdreg $0x0  }
0xa8: {  	s4 =	sshll.u32 s28, $0x1;
	[dreg:$0x2] =	wrdreg s2  }
0xa9: {  	[dreg:$0x3] =	wrdreg s4  }
0xaa: {  	[dreg:$0x4] =	wrdreg $0xC0  }
0xab: {  	_ =	task [dreg:s6], $0x5FFFF  }
0xac: {  	[dreg:$0x1] =	wrdreg $0xFFFFFFFF  }
0xad: {  	[dreg:$0x0] =	wrdreg $0x60  }
0xae: {  	[dreg:$0x2] =	wrdreg s24  }
0xaf: {  	[dreg:$0x3] =	wrdreg $0xA8000  }
0xb0: {  	[dreg:$0x4] =	wrdreg $0x9  }
0xb1: {  	_ =	task.clear_ibuf [dreg:s6], $0x5FFFF;
	_ =	strace $0x9000004C  }
0xb2: {  	s29 =	simm.s32 $0x9;
	_ =	strace $0x8000004E  }
0xb3: {  	_ =	swait.ge [sflag:s29], $0x1  }
0xb4: {  	[sflag:s29] =	ssyncadd.s32 $0xFFFFFFFF  }
0xb5: {  	_ =	strace $0x9000004E  }
0xb6: {  	_ =	sfence  }
0xb7: {  	s30 =	sld [smem:$0x0];
	_ =	sdelay $0x2  }
0xb8: {  	s31 =	sshll.u32 s1, $0xD;
	s1 =	sshrl.u32 s1, $0x2  }
0xb9: {  	s3 =	sand.u32 $0x4000, s31;
	s1 =	sadd.s32 s1, s30  }
0xba: {  	s0 =	sor.u32 s3, s0;
	s1 =	sshll.u32 s1, $0x11  }
0xbb: {  	s0 =	sor.u32 s1, s0  }
0xbc: {  	s0 =	sadd.s32 $0x8F2B, s0  }
0xbd: {  	[sflag:s0] =	ssyncadd.remote.s32 $0x1  }
0xbe: {  	_ =	sfence.sel $0xFFFF  }
0xbf: {  	[dreg:$0x0] =	wrdreg $0xFFFFFFFF;
	(pc) =	sbr.abs _section_cstart, $3  }
0xc0: {  	[dreg:$0x1] =	wrdreg $0xFFFFFFFF  }
0xc1: {  	_ =	task.clear_ibuf [dreg:s6], $0x2FFFF;
	_ =	strace $0x9FFFFFFF  }
0xc2: {  	(tm) =	ssettm $0x7FFFFFFF  }
0xc3: {  	_ =	shalt  }
tec
execute0_lowered:
.L_overlay_start_1:
0x0: {  	(tag) =	ssettag $0x1  }
0x1: {  	s6 =	rddreg [dreg:$0x0]  }
0x2: {  	s1 =	rddreg [dreg:$0x1]  }
0x3: {  	s0 =	rddreg [dreg:$0x2]  }
0x4: {  	s3 =	simm.s32 $0x0;
	s2 =	srdreg.scid;
	s13 =	simm.s32 $0x4000  }
0x5: {  	s14 =	simm.s32 $0x50;
	s15 =	simm.s32 $0x8000;
	s16 =	simm.s32 $0x1  }
0x6: {  	s17 =	simm.s32 $0x0;
	[smem:$0x7FF] =	sst s3;
	s7 =	sand.u32 $0x1, s2  }
0x7: {  	s2 =	stileid.u32;
	s4 =	sadd.s32 $0x23C00, s6;
	s5 =	smul.u32 $0x13C000, s7  }
0x8: {  	s8 =	sshll.u32 s2, $0xC;
	s9 =	sshll.u32 s7, $0xB;
	s10 =	smul.u32 $0x13C00, s2  }
0x9: {  	_ =	strace $0x8000004D;
	s29 =	smul.u32 $0x4F000, s2;
	s7 =	ssub.s32 $0x2, s7  }
0xa: {  	s31 =	sshll.u32 s2, $0x6;
	s8 =	sor.u32 s9, s8;
	s30 =	sshrl.u32 s7, $0x1  }
0xb: {  	s8 =	sadd.s32 s8, s6;
	s28 =	sadd.s32 s10, s5;
	s5 =	sadd.s32 $0x4AE00, s6  }
0xc: {  	s10 =	sshrl.u32 s29, $0x2;
	s11 =	ssub.s32 s7, s30;
	s9 =	sshrl.u32 s28, $0x3  }
0xd: {  	s12 =	sadd.s32 s10, s1;
	s7 =	sadd.s32 $0x13C00, s8;
	s8 =	sadd.s32 $0x3000, s8  }
0xe: {  	s10 =	smax.u32 s11, $0x1;
	s9 =	sadd.s32 s9, s6;
	s6 =	sor.u32 $0x1C02, s31  }
0xf: {  	s11 =	sshrl.u32 s12, $0x3;
	s12 =	simm.s32 $0x2;
	s9 =	sadd.s32 $0x4D600, s9  }
.LBB2_1:
0x10: {  	[spmem:s11], [sflag:s6] =	dma.local [hbm:s5], $0x2780  }
0x11: {  	_ =	swait.ge [sflag:s12], $0x2780  }
0x12: {  	[sflag:s12] =	ssyncset.done $0x0  }
0x13: {  	[sflag:s12] =	ssyncadd.s32 $0xFFFFD880  }
0x14: {  	[tilespmem:s3], [sflag:$0x2] =	stream.linear.gather [hbm4b:s7+s3], $0x3E80, $0x38;
	[tilespmem:$0x1E400] =	vst v63  }
0x15: {  	_ =	swait.ge [sflag:s12], $0x3E80  }
0x16: {  	[sflag:s12] =	ssyncset.done $0x0  }
0x17: {  	[sflag:s12] =	ssyncadd.s32 $0xFFFFC180  }
0x18: {  	[tilespmem:s13], [sflag:$0x2] =	stream.linear.gather [hbm4b:s8+s3], $0x3E80, $0x38;
	[tilespmem:$0x1E400] =	vst v63  }
0x19: {  	_ =	swait.ge [sflag:s12], $0x3E80  }
0x1a: {  	[sflag:s12] =	ssyncset.done $0x0  }
0x1b: {  	[sflag:s12] =	ssyncadd.s32 $0xFFFFC180  }
0x1c: {  	s18 =	simm.s32 $0x0;
	[bflag:$0x0] =	sbarrier.arrive $0xFFFF  }
0x1d: {  	[tilespmem:s15], [sflag:$0x1] =	stream.indirect.gather [hbm4b:s4+s14], $0x80, s18, s14, $0xb8;
	[tilespmem:$0x1E400] =	vst v63  }
0x1e: {  	_ =	swait.ge [sflag:s16], $0x2800  }
0x1f: {  	[sflag:s16] =	ssyncset.done $0x0  }
0x20: {  	s31 =	simm.s32 $0x4000;
	[sflag:s16] =	ssyncadd.s32 $0xFFFFD800  }
0x21: {  	[spmem:s1] =	stream.indirect.scatter.add.f32 [tilespmem:s15], [sflag:$0x2], $0x80, s31, s14, $0xb8;
	[tilespmem:$0x1E400] =	vst v63  }
0x22: {  	_ =	swait.ge [sflag:s12], $0x2800  }
0x23: {  	s19 =	simm.s32 $0x400;
	s18 =	simm.s32 $0x200;
	[sflag:s12] =	ssyncset.done $0x0  }
.LBB2_2:
0x24: {  	s20 =	sshra.s32 s18, $0x2  }
0x25: {  	[sflag:s12] =	ssyncadd.s32 $0xFFFFD800;
	s18 =	smov.u32 s19;
	s21 =	sadd.s32 $0x200, s19  }
0x26: {  	[tilespmem:s15], [sflag:$0x1] =	stream.indirect.gather [hbm4b:s4+s14], $0x80, s20, s14, $0xb8;
	[tilespmem:$0x1E400] =	vst v63  }
0x27: {  	p0 =	sne.s32 s19, $0xF800;
	_ =	swait.ge [sflag:s16], $0x2800  }
.Ltmp0:
0x28: {  	[sflag:s16] =	ssyncset.done $0x0;
	(pc) =	sbr.rel @p0 .LBB2_2-.Ltmp0, $4  }
0x29: {  	s19 =	sadd.s32 $0x4000, s20;
	[sflag:s16] =	ssyncadd.s32 $0xFFFFD800  }
0x2a: {  	[spmem:s1] =	stream.indirect.scatter.add.f32 [tilespmem:s15], [sflag:$0x2], $0x80, s19, s14, $0xb8;
	[tilespmem:$0x1E400] =	vst v63  }
0x2b: {  	_ =	swait.ge [sflag:s12], $0x2800  }
0x2c: {  	s19 =	smov.u32 s21;
	[sflag:s12] =	ssyncset.done $0x0  }
0x2d: {  	s18 =	sshra.s32 s18, $0x2;
	[sflag:s12] =	ssyncadd.s32 $0xFFFFD800  }
0x2e: {  	[tilespmem:s15], [sflag:$0x1] =	stream.indirect.gather [hbm4b:s4+s14], $0x80, s18, s14, $0xb8;
	[tilespmem:$0x1E400] =	vst v63  }
0x2f: {  	_ =	swait.ge [sflag:s16], $0x2800  }
0x30: {  	[sflag:s16] =	ssyncset.done $0x0  }
0x31: {  	s18 =	sadd.s32 $0x4000, s18;
	[sflag:s16] =	ssyncadd.s32 $0xFFFFD800  }
0x32: {  	[spmem:s1] =	stream.indirect.scatter.add.f32 [tilespmem:s15], [sflag:$0x2], $0x80, s18, s14, $0xb8;
	[tilespmem:$0x1E400] =	vst v63  }
0x33: {  	_ =	swait.ge [sflag:s12], $0x2800  }
0x34: {  	s17 =	sadd.s32 $0x1, s17;
	[sflag:s12] =	ssyncset.done $0x0  }
0x35: {  	p0 =	sne.s32 s17, s10;
	[sflag:s12] =	ssyncadd.s32 $0xFFFFD800  }
.Ltmp1:
0x36: {  	[bflag:$0x0] =	sbarrier.arrive $0xFFFF;
	(pc) =	sbr.rel @p0 .LBB2_1-.Ltmp1, $4  }
0x37: {  	[hbm:s9], [sflag:s6] =	dma.local [spmem:s11], $0x2780  }
0x38: {  	_ =	swait.ge [sflag:s12], $0x2780  }
0x39: {  	[sflag:s12] =	ssyncset.done $0x0  }
0x3a: {  	[sflag:s12] =	ssyncadd.s32 $0xFFFFD880  }
0x3b: {  	_ =	sfence.sel $0x180000  }
0x3c: {  	[bflag:$0x0] =	sbarrier.arrive $0xFFFF  }
0x3d: {  	p0 =	sne.s32 s2, $0x0;
	_ =	strace $0x9000004D  }
0x3e: {  	s0 =	sadd.s32 @!p0 $0x100000, s0;
	[bflag:$0x2] =	sbarrier.arrive $0xFFFF  }
0x3f: {  	[sflag:s0] =	ssyncadd.tile.s32 @!p0 $0x1;
	_ =	shalt  }
.Lfunc_end2:
_tile_overlayer_lowered:
.L_overlay_start_2:
0x40: {  	(tag) =	ssettag $0x2  }
0x41: {  	s0 =	rddreg [dreg:$0x0];
	s2 =	stileid.u32  }
0x42: {  	s1 =	rddreg [dreg:$0x1];
	p0 =	sne.s32 s2, $0x0  }
0x43: {  	s3 =	rddreg [dreg:$0x2];
	[bflag:$0x3] =	sbarrier.arrive $0xFFFF;
	s2 =	simm.s32 @!p0 $0x1C02  }
0x44: {  	[timem:s3], [sflag:s2] =	dma.local @!p0 [hbm:s0], s1  }
0x45: {  	s0 =	simm.s32 @!p0 $0x2  }
0x46: {  	_ =	swait.ge @!p0 [sflag:s0], s1  }
0x47: {  	s1 =	ssub.s32 @!p0 $0x0, s1;
	[sflag:s0] =	ssyncset.done @!p0 $0x0  }
0x48: {  	[sflag:s0] =	ssyncadd.s32 @!p0 s1  }
0x49: {  	[bflag:$0x3] =	sbarrier.arrive $0xFFFF  }
0x4a: {  	_ =	shalt  }

// kernel: kernel.19.cloned.1.call-start
scs
__scs_entry_jumppad:
0x0: {  	(pc) =	sbr.rel $0x88, $3  }
0x1: {  	(tag) =	ssettag $0x0;
	lr =	simm.s32 $0x1  }
0x2: {  	[smem:$0x3F94] =	sst lr;
	_ =	strace $0xD0000000  }
0x3: {  	_ = 	snop  }
0x4: {  	_ = 	snop  }
0x5: {  	_ = 	snop  }
0x6: {  	_ = 	snop  }
0x7: {  	_ = 	snop  }
__scs_overlays_trampoline_lowered:
0x8: {  	[smem:$0x3FA3] =	sst s0  }
0x9: {  	[smem:$0x3FA4] =	sst s1  }
0xa: {  	[smem:$0x3FA5] =	sst s2  }
0xb: {  	[smem:$0x3FA6] =	sst s3  }
0xc: {  	[smem:$0x3FA7] =	sst s4  }
0xd: {  	[smem:$0x3FA8] =	sst s5  }
0xe: {  	[smem:$0x3FA9] =	sst s6  }
0xf: {  	[smem:$0x3FAA] =	sst s7  }
0x10: {  	[smem:$0x3FAB] =	sst s8  }
0x11: {  	[smem:$0x3FAC] =	sst s9;
	s0 =	simm.s32 @!p0 $0x0  }
0x12: {  	s1 =	sld [smem:$0x3F92];
	s0 =	simm.s32 @p0 $0x1  }
0x13: {  	[smem:$0x3FAD] =	sst s0;
	s0 =	simm.s32 @!p1 $0x0  }
0x14: {  	s2 =	sld [smem:$0x3F91];
	s0 =	simm.s32 @p1 $0x1  }
0x15: {  	[smem:$0x3FAE] =	sst s0;
	s0 =	simm.s32 @!p2 $0x0  }
0x16: {  	s3 =	sld [smem:$0x3FDB];
	s0 =	simm.s32 @p2 $0x1  }
0x17: {  	s4 =	simm.s32 $0x1BF5;
	[smem:$0x3FB0] =	sst s0  }
0x18: {  	s0 =	sld [smem:$0x3F93];
	_ =	swait.ge [sflag:s4], $0x0  }
0x19: {  	s7 =	sld [smem:$0x3F94]  }
0x1a: {  	s8 =	sadd.s32 $0xFFFFE003, lr  }
0x1b: {  	s9 =	sadd.s32 $0xFFFFFEF7, lr;
	s5 =	simm.s32 $0xFFFFFFFF;
	p2 =	slt.u32 s8, $0xFFFFF086  }
0x1c: {  	p1 =	slt.u32 s9, $0xF7A;
	s5 =	simm.s32 @!p2 $0x0  }
0x1d: {  	s5 =	simm.s32 @p1 $0x1;
	p0 =	seq.s32 s7, s2  }
0x1e: {  	s7 =	smul.u32 @!p0 $0xF7A, s2;
	p2 =	seq.s32 @!p0 s5, $0x0  }
0x1f: {  	s9 =	smul.u32 $0xF7A, s1;
	s8 =	simm.s32 @!p0 $0x1BF5;
	p2 =	por !p2, p0  }
0x20: {  	[sflag:s8] =	ssyncset.s32 @!p0 $0xFFFFF086;
	s6 =	sadd.s32 @!p0 s3, s7;
	s7 =	simm.s32 @!p0 $0x108  }
0x21: {  	s3 =	sadd.s32 s3, s9;
	s6 =	sadd.s32 @!p0 $0x88, s6;
	s7 =	simm.s32 @p2 $0x1082  }
0x22: {  	[simem:s7], [sflag:s8] =	dma.local @!p0 [hbm:s6], $0xF7A  }
0x23: {  	s9 =	sor.u32 $0xD0000000, s2;
	s6 =	simm.s32 $0x108;
	_ =	swait.ge @!p0 [sflag:s8], $0x0  }
0x24: {  	s3 =	sadd.s32 $0x88, s3;
	s6 =	simm.s32 @!p1 $0x1082;
	[sflag:s4] =	ssyncset.s32 $0xFFFFF086  }
0x25: {  	[simem:s6], [sflag:s4] =	dma.local [hbm:s3], $0xF7A  }
0x26: {  	[smem:$0x3F94] =	sst s1;
	(tag) =	ssettag s2;
	_ =	strace s9  }
0x27: {  	s1 =	sld [smem:$0x3FA4]  }
0x28: {  	s2 =	sld [smem:$0x3FA5]  }
0x29: {  	s4 =	sld [smem:$0x3FA7]  }
0x2a: {  	p0 =	seq.s32 s5, $0x0;
	s5 =	sld [smem:$0x3FA8]  }
0x2b: {  	s6 =	sld [smem:$0x3FA9]  }
0x2c: {  	s7 =	sld [smem:$0x3FAA]  }
0x2d: {  	s3 =	simm.s32 $0x108;
	s8 =	sld [smem:$0x3FAB]  }
0x2e: {  	s3 =	simm.s32 @!p0 $0x1082;
	s9 =	sld [smem:$0x3FAC]  }
0x2f: {  	lr =	sadd.s32 s0, s3;
	s0 =	sld [smem:$0x3FA3]  }
0x30: {  	s3 =	sld [smem:$0x3FA6]  }
0x31: {  	[smem:$0x3FAF] =	sst s10  }
0x32: {  	s10 =	sld [smem:$0x3FAD];
	_ =	sdelay $0x3  }
0x33: {  	p0 =	seq.s32 s10, $0x1;
	s10 =	sld [smem:$0x3FAF];
	_ =	sdelay $0x3  }
0x34: {  	[smem:$0x3FAF] =	sst s10  }
0x35: {  	s10 =	sld [smem:$0x3FAE];
	_ =	sdelay $0x3  }
0x36: {  	p1 =	seq.s32 s10, $0x1;
	s10 =	sld [smem:$0x3FAF];
	_ =	sdelay $0x3  }
0x37: {  	[smem:$0x3FAF] =	sst s10  }
0x38: {  	s10 =	sld [smem:$0x3FB0]  }
0x39: {  	_ = 	snop;
	(pc) =	sbr.ind lr, $3  }
0x3a: {  	_ = 	snop  }
0x3b: {  	_ = 	snop  }
0x3c: {  	p2 =	seq.s32 s10, $0x1;
	s10 =	sld [smem:$0x3FAF]  }
0x3d: {  	_ =	shalt  }
0x3e: {  	_ =	shalt  }
0x3f: {  	_ =	shalt  }
0x40: {  	_ =	shalt  }
0x41: {  	_ =	shalt  }
0x42: {  	_ =	shalt  }
0x43: {  	_ =	shalt  }
0x44: {  	_ =	shalt  }
0x45: {  	_ =	shalt  }
0x46: {  	_ =	shalt  }
0x47: {  	_ =	shalt  }
0x48: {  	_ =	shalt  }
0x49: {  	_ =	shalt  }
0x4a: {  	_ =	shalt  }
0x4b: {  	_ =	shalt  }
0x4c: {  	_ =	shalt  }
0x4d: {  	_ =	shalt  }
0x4e: {  	_ =	shalt  }
0x4f: {  	_ =	shalt  }
0x50: {  	_ =	shalt  }
0x51: {  	_ =	shalt  }
0x52: {  	_ =	shalt  }
0x53: {  	_ =	shalt  }
0x54: {  	_ =	shalt  }
0x55: {  	_ =	shalt  }
0x56: {  	_ =	shalt  }
0x57: {  	_ =	shalt  }
0x58: {  	_ =	shalt  }
0x59: {  	_ =	shalt  }
0x5a: {  	_ =	shalt  }
0x5b: {  	_ =	shalt  }
0x5c: {  	_ =	shalt  }
0x5d: {  	_ =	shalt  }
0x5e: {  	_ =	shalt  }
0x5f: {  	_ =	shalt  }
0x60: {  	_ =	shalt  }
0x61: {  	_ =	shalt  }
0x62: {  	_ =	shalt  }
0x63: {  	_ =	shalt  }
0x64: {  	_ =	shalt  }
0x65: {  	_ =	shalt  }
0x66: {  	_ =	shalt  }
0x67: {  	_ =	shalt  }
0x68: {  	_ =	shalt  }
0x69: {  	_ =	shalt  }
0x6a: {  	_ =	shalt  }
0x6b: {  	_ =	shalt  }
0x6c: {  	_ =	shalt  }
0x6d: {  	_ =	shalt  }
0x6e: {  	_ =	shalt  }
0x6f: {  	_ =	shalt  }
0x70: {  	_ =	shalt  }
0x71: {  	_ =	shalt  }
0x72: {  	_ =	shalt  }
0x73: {  	_ =	shalt  }
0x74: {  	_ =	shalt  }
0x75: {  	_ =	shalt  }
0x76: {  	_ =	shalt  }
0x77: {  	_ =	shalt  }
0x78: {  	_ =	shalt  }
0x79: {  	_ =	shalt  }
0x7a: {  	_ =	shalt  }
0x7b: {  	_ =	shalt  }
0x7c: {  	_ =	shalt  }
0x7d: {  	_ =	shalt  }
0x7e: {  	_ =	shalt  }
0x7f: {  	_ =	shalt  }
0x80: {  	_ =	shalt  }
0x81: {  	_ =	shalt  }
0x82: {  	_ =	shalt  }
0x83: {  	_ =	shalt  }
0x84: {  	_ =	shalt  }
0x85: {  	_ =	shalt  }
0x86: {  	_ =	shalt  }
0x87: {  	_ =	shalt  }
.Lfunc_end0:
.L_simem_size_0:
called_computation.3_lowered:
.L_overlay_start_0:
0x88: {  	s2 =	sld [smem:$0x3FD9]  }
0x89: {  	s3 =	sld [smem:$0x3FFE];
	_ =	sdelay $0x1  }
0x8a: {  	s1 =	srdreg.scid  }
0x8b: {  	s0 =	sand.u32 $0x1, s1  }
0x8c: {  	s16 =	sshll.u32 s0, $0xA;
	s2 =	sadd.s32 s3, s2  }
0x8d: {  	s2 =	sadd.s32 s2, s16  }
0x8e: {  	[smem:$0x3FBB] =	sst s2  }
0x8f: {  	_ = 	snop  }
0x90: {  	(tm) =	ssettm $0x1  }
0x91: {  	s17 =	sld [smem:$0x3FFB];
	_ =	sdelay $0x3  }
0x92: {  	_ =	strace s17  }
0x93: {  	s2 =	sld [smem:$0x3FFC];
	_ =	sdelay $0x3  }
0x94: {  	_ =	strace s2  }
0x95: {  	s2 =	sld [smem:$0x3FFD];
	_ =	sdelay $0x3  }
0x96: {  	_ =	strace s2  }
0x97: {  	_ =	strace $0x8FFFFFFF  }
0x98: {  	s18 =	sld [smem:$0x3FDB];
	_ =	sdelay $0x1  }
0x99: {  	s19 =	simm.s32 $_scs_section_size  }
0x9a: {  	s4 =	simm.s32 $_size__tile_overlayer_lowered;
	s5 =	simm.s32 $_tile_overlayer_lowered  }
0x9b: {  	s22 =	simm.s32 $0x1BFF;
	s21 =	sshll.u32 s5, $0x1;
	s2 =	sadd.s32 s19, s18  }
0x9c: {  	s6 =	simm.s32 $0x0;
	s20 =	sshll.u32 s4, $0x1;
	s4 =	sadd.s32 s21, s2  }
0x9d: {  	[timem:s6], [sflag:s22] =	dma.local [hbm:s4], s20  }
0x9e: {  	_ =	swait.ge [sflag:s22], s20  }
0x9f: {  	s3 =	ssub.s32 $0x0, s20;
	[sflag:s22] =	ssyncset.done $0x0  }
0xa0: {  	[sflag:s22] =	ssyncadd.s32 s3;
	_ =	sdelay $0x1  }
0xa1: {  	s23 =	simm.s32 $0x1B8B  }
0xa2: {  	_ =	swait.ge [sflag:s23], $0x1  }
0xa3: {  	[sflag:s23] =	ssyncset.done $0x0  }
0xa4: {  	s25 =	simm.s32 $0x1B8E;
	s24 =	sld [smem:$0x3FFE];
	[sflag:s23] =	ssyncadd.s32 $0xFFFFFFFF  }
0xa5: {  	s26 =	simm.s32 $execute0_lowered;
	[smem:$0x3FD2] =	sst s25  }
0xa6: {  	s4 =	sshll.u32 s26, $0x1;
	_ =	strace $0x8000004F;
	[dreg:$0x1] =	wrdreg $0xFFFFFFFF  }
0xa7: {  	s28 =	simm.s32 $_size_execute0_lowered;
	s2 =	sadd.s32 s2, s4;
	[dreg:$0x0] =	wrdreg $0x0  }
0xa8: {  	s4 =	sshll.u32 s28, $0x1;
	[dreg:$0x2] =	wrdreg s2  }
0xa9: {  	[dreg:$0x3] =	wrdreg s4  }
0xaa: {  	[dreg:$0x4] =	wrdreg $0xC0  }
0xab: {  	_ =	task [dreg:s6], $0x5FFFF  }
0xac: {  	[dreg:$0x1] =	wrdreg $0xFFFFFFFF  }
0xad: {  	[dreg:$0x0] =	wrdreg $0x60  }
0xae: {  	[dreg:$0x2] =	wrdreg s24  }
0xaf: {  	[dreg:$0x3] =	wrdreg $0xA8000  }
0xb0: {  	[dreg:$0x4] =	wrdreg $0x9  }
0xb1: {  	_ =	task.clear_ibuf [dreg:s6], $0x5FFFF;
	_ =	strace $0x9000004F  }
0xb2: {  	s29 =	simm.s32 $0x9;
	_ =	strace $0x80000051  }
0xb3: {  	_ =	swait.ge [sflag:s29], $0x1  }
0xb4: {  	[sflag:s29] =	ssyncadd.s32 $0xFFFFFFFF  }
0xb5: {  	_ =	strace $0x90000051  }
0xb6: {  	_ =	sfence  }
0xb7: {  	s30 =	sld [smem:$0x0];
	_ =	sdelay $0x2  }
0xb8: {  	s31 =	sshll.u32 s1, $0xD;
	s1 =	sshrl.u32 s1, $0x2  }
0xb9: {  	s3 =	sand.u32 $0x4000, s31;
	s1 =	sadd.s32 s1, s30  }
0xba: {  	s0 =	sor.u32 s3, s0;
	s1 =	sshll.u32 s1, $0x11  }
0xbb: {  	s0 =	sor.u32 s1, s0  }
0xbc: {  	s0 =	sadd.s32 $0x8F2B, s0  }
0xbd: {  	[sflag:s0] =	ssyncadd.remote.s32 $0x1  }
0xbe: {  	_ =	sfence.sel $0xFFFF  }
0xbf: {  	[dreg:$0x0] =	wrdreg $0xFFFFFFFF;
	(pc) =	sbr.abs _section_cstart, $3  }
0xc0: {  	[dreg:$0x1] =	wrdreg $0xFFFFFFFF  }
0xc1: {  	_ =	task.clear_ibuf [dreg:s6], $0x2FFFF;
	_ =	strace $0x9FFFFFFF  }
0xc2: {  	(tm) =	ssettm $0x7FFFFFFF  }
0xc3: {  	_ =	shalt  }
tec
execute0_lowered:
.L_overlay_start_1:
0x0: {  	(tag) =	ssettag $0x1  }
0x1: {  	s6 =	rddreg [dreg:$0x0]  }
0x2: {  	s1 =	rddreg [dreg:$0x1]  }
0x3: {  	s0 =	rddreg [dreg:$0x2]  }
0x4: {  	s3 =	simm.s32 $0x0;
	s2 =	srdreg.scid;
	s13 =	simm.s32 $0x4000  }
0x5: {  	s14 =	simm.s32 $0x50;
	s15 =	simm.s32 $0x8000;
	s16 =	simm.s32 $0x1  }
0x6: {  	s17 =	simm.s32 $0x0;
	[smem:$0x7FF] =	sst s3;
	s7 =	sand.u32 $0x1, s2  }
0x7: {  	s2 =	stileid.u32;
	s4 =	sadd.s32 $0x23C00, s6;
	s5 =	smul.u32 $0x13C000, s7  }
0x8: {  	s8 =	sshll.u32 s2, $0xC;
	s9 =	sshll.u32 s7, $0xB;
	s10 =	smul.u32 $0x13C00, s2  }
0x9: {  	_ =	strace $0x80000050;
	s29 =	smul.u32 $0x4F000, s2;
	s7 =	ssub.s32 $0x2, s7  }
0xa: {  	s31 =	sshll.u32 s2, $0x6;
	s8 =	sor.u32 s9, s8;
	s30 =	sshrl.u32 s7, $0x1  }
0xb: {  	s8 =	sadd.s32 s8, s6;
	s28 =	sadd.s32 s10, s5;
	s5 =	sadd.s32 $0x4AE00, s6  }
0xc: {  	s10 =	sshrl.u32 s29, $0x2;
	s11 =	ssub.s32 s7, s30;
	s9 =	sshrl.u32 s28, $0x3  }
0xd: {  	s12 =	sadd.s32 s10, s1;
	s7 =	sadd.s32 $0x13C00, s8;
	s8 =	sadd.s32 $0x3000, s8  }
0xe: {  	s10 =	smax.u32 s11, $0x1;
	s9 =	sadd.s32 s9, s6;
	s6 =	sor.u32 $0x1C02, s31  }
0xf: {  	s11 =	sshrl.u32 s12, $0x3;
	s12 =	simm.s32 $0x2;
	s9 =	sadd.s32 $0x4D600, s9  }
.LBB2_1:
0x10: {  	[spmem:s11], [sflag:s6] =	dma.local [hbm:s5], $0x2780  }
0x11: {  	_ =	swait.ge [sflag:s12], $0x2780  }
0x12: {  	[sflag:s12] =	ssyncset.done $0x0  }
0x13: {  	[sflag:s12] =	ssyncadd.s32 $0xFFFFD880  }
0x14: {  	[tilespmem:s3], [sflag:$0x2] =	stream.linear.gather [hbm4b:s7+s3], $0x3E80, $0x38;
	[tilespmem:$0x1E400] =	vst v63  }
0x15: {  	_ =	swait.ge [sflag:s12], $0x3E80  }
0x16: {  	[sflag:s12] =	ssyncset.done $0x0  }
0x17: {  	[sflag:s12] =	ssyncadd.s32 $0xFFFFC180  }
0x18: {  	[tilespmem:s13], [sflag:$0x2] =	stream.linear.gather [hbm4b:s8+s3], $0x3E80, $0x38;
	[tilespmem:$0x1E400] =	vst v63  }
0x19: {  	_ =	swait.ge [sflag:s12], $0x3E80  }
0x1a: {  	[sflag:s12] =	ssyncset.done $0x0  }
0x1b: {  	[sflag:s12] =	ssyncadd.s32 $0xFFFFC180  }
0x1c: {  	s18 =	simm.s32 $0x0;
	[bflag:$0x0] =	sbarrier.arrive $0xFFFF  }
0x1d: {  	[tilespmem:s15], [sflag:$0x1] =	stream.indirect.gather [hbm4b:s4+s14], $0x80, s18, s14, $0xb8;
	[tilespmem:$0x1E400] =	vst v63  }
0x1e: {  	_ =	swait.ge [sflag:s16], $0x2800  }
0x1f: {  	[sflag:s16] =	ssyncset.done $0x0  }
0x20: {  	s31 =	simm.s32 $0x4000;
	[sflag:s16] =	ssyncadd.s32 $0xFFFFD800  }
0x21: {  	[spmem:s1] =	stream.indirect.scatter.add.f32 [tilespmem:s15], [sflag:$0x2], $0x80, s31, s14, $0xb8;
	[tilespmem:$0x1E400] =	vst v63  }
0x22: {  	_ =	swait.ge [sflag:s12], $0x2800  }
0x23: {  	s19 =	simm.s32 $0x400;
	s18 =	simm.s32 $0x200;
	[sflag:s12] =	ssyncset.done $0x0  }
.LBB2_2:
0x24: {  	s20 =	sshra.s32 s18, $0x2  }
0x25: {  	[sflag:s12] =	ssyncadd.s32 $0xFFFFD800;
	s18 =	smov.u32 s19;
	s21 =	sadd.s32 $0x200, s19  }
0x26: {  	[tilespmem:s15], [sflag:$0x1] =	stream.indirect.gather [hbm4b:s4+s14], $0x80, s20, s14, $0xb8;
	[tilespmem:$0x1E400] =	vst v63  }
0x27: {  	p0 =	sne.s32 s19, $0xF800;
	_ =	swait.ge [sflag:s16], $0x2800  }
.Ltmp0:
0x28: {  	[sflag:s16] =	ssyncset.done $0x0;
	(pc) =	sbr.rel @p0 .LBB2_2-.Ltmp0, $4  }
0x29: {  	s19 =	sadd.s32 $0x4000, s20;
	[sflag:s16] =	ssyncadd.s32 $0xFFFFD800  }
0x2a: {  	[spmem:s1] =	stream.indirect.scatter.add.f32 [tilespmem:s15], [sflag:$0x2], $0x80, s19, s14, $0xb8;
	[tilespmem:$0x1E400] =	vst v63  }
0x2b: {  	_ =	swait.ge [sflag:s12], $0x2800  }
0x2c: {  	s19 =	smov.u32 s21;
	[sflag:s12] =	ssyncset.done $0x0  }
0x2d: {  	s18 =	sshra.s32 s18, $0x2;
	[sflag:s12] =	ssyncadd.s32 $0xFFFFD800  }
0x2e: {  	[tilespmem:s15], [sflag:$0x1] =	stream.indirect.gather [hbm4b:s4+s14], $0x80, s18, s14, $0xb8;
	[tilespmem:$0x1E400] =	vst v63  }
0x2f: {  	_ =	swait.ge [sflag:s16], $0x2800  }
0x30: {  	[sflag:s16] =	ssyncset.done $0x0  }
0x31: {  	s18 =	sadd.s32 $0x4000, s18;
	[sflag:s16] =	ssyncadd.s32 $0xFFFFD800  }
0x32: {  	[spmem:s1] =	stream.indirect.scatter.add.f32 [tilespmem:s15], [sflag:$0x2], $0x80, s18, s14, $0xb8;
	[tilespmem:$0x1E400] =	vst v63  }
0x33: {  	_ =	swait.ge [sflag:s12], $0x2800  }
0x34: {  	s17 =	sadd.s32 $0x1, s17;
	[sflag:s12] =	ssyncset.done $0x0  }
0x35: {  	p0 =	sne.s32 s17, s10;
	[sflag:s12] =	ssyncadd.s32 $0xFFFFD800  }
.Ltmp1:
0x36: {  	[bflag:$0x0] =	sbarrier.arrive $0xFFFF;
	(pc) =	sbr.rel @p0 .LBB2_1-.Ltmp1, $4  }
0x37: {  	[hbm:s9], [sflag:s6] =	dma.local [spmem:s11], $0x2780  }
0x38: {  	_ =	swait.ge [sflag:s12], $0x2780  }
0x39: {  	[sflag:s12] =	ssyncset.done $0x0  }
0x3a: {  	[sflag:s12] =	ssyncadd.s32 $0xFFFFD880  }
0x3b: {  	_ =	sfence.sel $0x180000  }
0x3c: {  	[bflag:$0x0] =	sbarrier.arrive $0xFFFF  }
0x3d: {  	p0 =	sne.s32 s2, $0x0;
	_ =	strace $0x90000050  }
0x3e: {  	s0 =	sadd.s32 @!p0 $0x100000, s0;
	[bflag:$0x2] =	sbarrier.arrive $0xFFFF  }
0x3f: {  	[sflag:s0] =	ssyncadd.tile.s32 @!p0 $0x1;
	_ =	shalt  }
.Lfunc_end2:
_tile_overlayer_lowered:
.L_overlay_start_2:
0x40: {  	(tag) =	ssettag $0x2  }
0x41: {  	s0 =	rddreg [dreg:$0x0];
	s2 =	stileid.u32  }
0x42: {  	s1 =	rddreg [dreg:$0x1];
	p0 =	sne.s32 s2, $0x0  }
0x43: {  	s3 =	rddreg [dreg:$0x2];
	[bflag:$0x3] =	sbarrier.arrive $0xFFFF;
	s2 =	simm.s32 @!p0 $0x1C02  }
0x44: {  	[timem:s3], [sflag:s2] =	dma.local @!p0 [hbm:s0], s1  }
0x45: {  	s0 =	simm.s32 @!p0 $0x2  }
0x46: {  	_ =	swait.ge @!p0 [sflag:s0], s1  }
0x47: {  	s1 =	ssub.s32 @!p0 $0x0, s1;
	[sflag:s0] =	ssyncset.done @!p0 $0x0  }
0x48: {  	[sflag:s0] =	ssyncadd.s32 @!p0 s1  }
0x49: {  	[bflag:$0x3] =	sbarrier.arrive $0xFFFF  }
0x4a: {  	_ =	shalt  }

</sc_bundles>
